<compile_context>
chip_gen: v7x
topology: tpu7x:2x2x1
jax: 0.10.2.dev20260603
libtpu: 0.0.44.dev20260713+nightly
codegen_flags: <defaults>
</compile_context>

<pallas_src>
import functools
import jax
import jax.numpy as jnp
from jax import lax
from jax.experimental import pallas as pl
from jax.experimental.pallas import tpu as pltpu
from jax.experimental.pallas import tpu_sc as plsc

N = 10000
E = 320000
G = 64
V = 16
D = 128
H = 256

NPAD = 10240
NPT = NPAD // 16
EROWS = 2560
RPT = EROWS // 16
ECH = 16
NCH = RPT // ECH
EPAD = EROWS * 128 - E
CFLAT = NPAD * V

_sc_kernel_cache = {}


def _sc_mesh():
    return plsc.VectorSubcoreMesh(core_axis_name="c", subcore_axis_name="s",
                                  num_cores=2, num_subcores=16)


def _rsqrt_sc(d):
    i = lax.bitcast_convert_type(d, jnp.int32)
    i = jnp.int32(0x5F3759DF) - lax.shift_right_logical(i, 1)
    y = lax.bitcast_convert_type(i, jnp.float32)
    for _ in range(3):
        y = y * (1.5 - 0.5 * d * y * y)
    return y


def _sc_deg_c(edges, edges_flat, x_p):
    if "deg_c" not in _sc_kernel_cache:
        _sc_kernel_cache["deg_c"] = functools.partial(
            pl.kernel,
            out_type=(
                jax.ShapeDtypeStruct((2, CFLAT), jnp.float32),
                jax.ShapeDtypeStruct((2, NPAD), jnp.float32),
            ),
            mesh=_sc_mesh(),
            compiler_params=pltpu.CompilerParams(needs_layout_passes=False),
            scratch_types=[
                pltpu.MemorySpace.VMEM_SHARED((CFLAT,), jnp.float32),
                pltpu.MemorySpace.VMEM_SHARED((NPAD,), jnp.float32),
                pltpu.MemorySpace.VMEM_SHARED((NPAD,), jnp.float32),
                pltpu.VMEM((CFLAT // 16,), jnp.float32),
                pltpu.VMEM((NPAD,), jnp.int32),
                pltpu.VMEM((NPAD,), jnp.float32),
                pltpu.VMEM((NPT,), jnp.float32),
                pltpu.VMEM((NPT,), jnp.float32),
                pltpu.VMEM((RPT, 128), jnp.int32),
                pltpu.VMEM((RPT * 128,), jnp.int32),
                pltpu.VMEM((RPT * 128,), jnp.int32),
                pltpu.VMEM((128,), jnp.int32),
                pltpu.VMEM((128,), jnp.float32),
                pltpu.VMEM((128,), jnp.int32),
                pltpu.VMEM((128,), jnp.float32),
                pltpu.VMEM((128,), jnp.float32),
                pltpu.SemaphoreType.DMA,
            ],
        )(_sc_deg_c_body)
    return _sc_kernel_cache["deg_c"](edges, edges_flat, x_p)


def _sc_deg_c_body(edges, edges_flat, x_hbm, c_out, dinv_out,
                   c_spm, deg_spm, dinv_spm,
                   zero_v, x_v, dinv_v, deg_sl, dinv_sl,
                   edgd, srcf, dstf, idx_a, upd_a, idx_b, upd_b, ones_v, sems):
    c = lax.axis_index("c")
    s = lax.axis_index("s")
    nz = CFLAT // 16

    def fill_zero(i, _):
        zero_v[pl.ds(i * 16, 16)] = jnp.zeros((16,), jnp.float32)
        return 0
    lax.fori_loop(0, nz // 16, fill_zero, 0)
    for i in range(8):
        ones_v[pl.ds(i * 16, 16)] = jnp.ones((16,), jnp.float32)

    pltpu.sync_copy(zero_v, c_spm.at[pl.ds(s * nz, nz)])
    pltpu.sync_copy(zero_v.at[pl.ds(0, NPT)], deg_spm.at[pl.ds(s * NPT, NPT)])

    pltpu.sync_copy(edges.at[c, 1, s], edgd)
    pltpu.sync_copy(edges_flat.at[c, 0, s], srcf)
    pltpu.sync_copy(edges_flat.at[c, 1, s], dstf)
    pltpu.sync_copy(x_hbm, x_v)
    plsc.subcore_barrier()

    def deg_row(j, _):
        @pl.when(j >= 8)
        def _():
            pltpu.make_async_copy(ones_v, deg_spm.at[edgd.at[j]], sems).wait()
        pltpu.async_copy(ones_v, deg_spm.at[edgd.at[j]], sems, add=True)
        return 0
    lax.fori_loop(0, RPT, deg_row, 0)

    def deg_drain(j, _):
        pltpu.make_async_copy(ones_v, deg_spm.at[edgd.at[j]], sems).wait()
        return 0
    lax.fori_loop(0, 8, deg_drain, 0)
    plsc.subcore_barrier()

    pltpu.sync_copy(deg_spm.at[pl.ds(s * NPT, NPT)], deg_sl)

    def dinv_blk(i, _):
        d = deg_sl[pl.ds(i * 16, 16)] + 1.0
        dinv_sl[pl.ds(i * 16, 16)] = _rsqrt_sc(d)
        return 0
    lax.fori_loop(0, NPT // 16, dinv_blk, 0)
    pltpu.sync_copy(dinv_sl, dinv_spm.at[pl.ds(s * NPT, NPT)])
    pltpu.sync_copy(dinv_sl, dinv_out.at[c, pl.ds(s * NPT, NPT)])
    plsc.subcore_barrier()

    pltpu.sync_copy(dinv_spm, dinv_v)

    def _c_build(j, idx_v, upd_v):
        for i in range(8):
            sl = pl.ds(i * 16, 16)
            fl = pl.ds(j * 128 + i * 16, 16)
            sv = srcf[fl]
            dv = dstf[fl]
            xv = plsc.load_gather(x_v, [sv])
            wv = plsc.load_gather(dinv_v, [sv])
            idx_v[sl] = dv * 16 + xv
            upd_v[sl] = wv
        pltpu.async_copy(upd_v, c_spm.at[idx_v], sems, add=True)

    def c_row(j, _):
        @pl.when(lax.rem(j, 2) == 0)
        def _():
            @pl.when(j >= 2)
            def _():
                pltpu.make_async_copy(upd_a, c_spm.at[idx_a], sems).wait()
            _c_build(j, idx_a, upd_a)

        @pl.when(lax.rem(j, 2) == 1)
        def _():
            @pl.when(j >= 2)
            def _():
                pltpu.make_async_copy(upd_b, c_spm.at[idx_b], sems).wait()
            _c_build(j, idx_b, upd_b)
        return 0
    lax.fori_loop(0, RPT, c_row, 0)
    pltpu.make_async_copy(upd_a, c_spm.at[idx_a], sems).wait()
    pltpu.make_async_copy(upd_b, c_spm.at[idx_b], sems).wait()
    plsc.subcore_barrier()

    pltpu.sync_copy(c_spm.at[pl.ds(s * nz, nz)], c_out.at[c, pl.ds(s * nz, nz)])


def _sc_aggregate(edges, t):
    if "agg" not in _sc_kernel_cache:
        _sc_kernel_cache["agg"] = functools.partial(
            pl.kernel,
            out_type=jax.ShapeDtypeStruct((2, NPAD, D), jnp.float32),
            mesh=_sc_mesh(),
            compiler_params=pltpu.CompilerParams(needs_layout_passes=False),
            scratch_types=[
                pltpu.MemorySpace.VMEM_SHARED((NPAD, D), jnp.float32),
                pltpu.VMEM((2, 2, ECH, 128), jnp.int32),
                pltpu.VMEM((2, 128, D), jnp.float32),
                pltpu.SemaphoreType.DMA,
                pltpu.SemaphoreType.DMA,
                pltpu.SemaphoreType.DMA,
            ],
        )(_sc_aggregate_body)
    return _sc_kernel_cache["agg"](edges, t)


def _sc_aggregate_body(edges, t_hbm, acc_out, acc_spm, edg, rows,
                       seme, semg, sems):
    c = lax.axis_index("c")
    s = lax.axis_index("s")

    nrp = NPAD // 16
    pltpu.sync_copy(t_hbm.at[c, pl.ds(s * nrp, nrp)],
                    acc_spm.at[pl.ds(s * nrp, nrp)])
    plsc.subcore_barrier()

    def echunk(k, km):
        return pltpu.make_async_copy(
            edges.at[c, :, s, pl.ds(k * ECH, ECH)], edg.at[km], seme)

    def gat(j, km, jj, jm):
        return pltpu.make_async_copy(
            t_hbm.at[c].at[edg.at[km, 0, jj]], rows.at[jm], semg)

    def sca(j, km, jj, jm):
        return pltpu.make_async_copy(
            rows.at[jm], acc_spm.at[edg.at[km, 1, jj]], sems)

    echunk(0, 0).start()
    echunk(0, 0).wait()

    @pl.when(NCH > 1)
    def _():
        echunk(1, 1).start()
    pltpu.async_copy(t_hbm.at[c].at[edg.at[0, 0, 0]], rows.at[0], semg)

    def agg_row(j, _):
        km = lax.rem(j // ECH, 2)
        jj = lax.rem(j, ECH)
        jm = lax.rem(j, 2)
        gat(j, km, jj, jm).wait()
        pltpu.async_copy(rows.at[jm], acc_spm.at[edg.at[km, 1, jj]], sems,
                         add=True)

        @pl.when(j >= 1)
        def _():
            sca(j, km, jj, 1 - jm).wait()

        @pl.when((jj == 0) & (j >= ECH) & (j + ECH < RPT))
        def _():
            echunk(j // ECH + 1, lax.rem(j // ECH + 1, 2)).start()

        @pl.when(jnp.logical_and(jj == ECH - 1, j + 1 < RPT))
        def _():
            echunk((j + 1) // ECH, lax.rem((j + 1) // ECH, 2)).wait()

        @pl.when(j + 1 < RPT)
        def _():
            km2 = lax.rem((j + 1) // ECH, 2)
            jj2 = lax.rem(j + 1, ECH)
            pltpu.async_copy(
                t_hbm.at[c].at[edg.at[km2, 0, jj2]], rows.at[1 - jm], semg)
        return 0
    lax.fori_loop(0, RPT, agg_row, 0)
    sca(RPT - 1, 0, 0, lax.rem(RPT - 1, 2)).wait()
    plsc.subcore_barrier()

    nout = NPAD // 16
    pltpu.sync_copy(acc_spm.at[pl.ds(s * nout, nout)],
                    acc_out.at[c, pl.ds(s * nout, nout)])


def _tc1_body(c_ref, dinv_ref, x_ref, emb_ref, w1_ref, b1_ref, w2_ref, t_ref):
    cb = c_ref[0]
    dv = dinv_ref[0, 0, 0]
    xv = x_ref[0, 0]
    bn = cb.shape[0]
    emb_w1 = jnp.dot(emb_ref[...], w1_ref[0], preferred_element_type=jnp.float32)
    oh = (lax.broadcasted_iota(jnp.int32, (bn, V), 1) == xv[:, None])
    ctot = cb * dv[:, None] + oh.astype(jnp.float32) * (dv * dv)[:, None]
    z1 = jnp.dot(ctot, emb_w1,
                 preferred_element_type=jnp.float32) + b1_ref[0, 0][None, :]
    h1 = jnp.where(z1 > 0, z1, jnp.exp(z1) - 1.0)
    t = jnp.dot(h1, w2_ref[0], preferred_element_type=jnp.float32) * dv[:, None]
    t_ref[0] = t


def _tc1(c3, dinv4, x3, emb, w1s, b1s, w2s):
    bn = 1024
    nb = NPAD // bn
    return pl.pallas_call(
        _tc1_body,
        grid=(2, nb),
        in_specs=[
            pl.BlockSpec((1, bn, V), lambda v, b: (v, b, 0)),
            pl.BlockSpec((1, 1, 1, bn), lambda v, b: (v, b, 0, 0)),
            pl.BlockSpec((1, 1, bn), lambda v, b: (b, 0, 0)),
            pl.BlockSpec((V, D), lambda v, b: (0, 0)),
            pl.BlockSpec((1, D, H), lambda v, b: (v, 0, 0)),
            pl.BlockSpec((1, 1, H), lambda v, b: (v, 0, 0)),
            pl.BlockSpec((1, H, D), lambda v, b: (v, 0, 0)),
        ],
        out_specs=pl.BlockSpec((1, bn, D), lambda v, b: (v, b, 0)),
        out_shape=jax.ShapeDtypeStruct((2, NPAD, D), jnp.float32),
    )(c3, dinv4, x3, emb, w1s, b1s, w2s)


def _tc2_body(acc_ref, dinv_ref, b2_ref, batch_ref, node_ref, graph_ref,
              gacc, gcnt):
    b = pl.program_id(0)
    nb = pl.num_programs(0)
    bn = acc_ref.shape[1]

    @pl.when(b == 0)
    def _():
        gacc[...] = jnp.zeros_like(gacc)
        gcnt[...] = jnp.zeros_like(gcnt)

    hs = []
    for v in range(2):
        z = acc_ref[v] * dinv_ref[v, 0, 0][:, None] + b2_ref[v][None, :]
        hs.append(jnp.where(z > 0, z, jnp.exp(z) - 1.0))
    fused = jnp.concatenate(hs, axis=1)
    node_ref[...] = fused

    row = b * bn + lax.broadcasted_iota(jnp.int32, (1, bn), 1)[0]
    valid = row < N
    bv = batch_ref[0, 0]
    pt = (lax.broadcasted_iota(jnp.int32, (G, bn), 0) == bv[None, :]) \
        & valid[None, :]
    ptf = pt.astype(jnp.float32)
    g_new = gacc[...] + jnp.dot(ptf, fused, preferred_element_type=jnp.float32)
    c_new = gcnt[...] + jnp.dot(ptf, jnp.ones((bn, D), jnp.float32),
                                preferred_element_type=jnp.float32)
    gacc[...] = g_new
    gcnt[...] = c_new

    @pl.when(b == nb - 1)
    def _():
        graph_ref[...] = g_new / jnp.maximum(c_new[:, 0:1], 1.0)


def _tc2(acc, dinv4, b2s, batch3):
    bn = 1024
    nb = NPAD // bn
    return pl.pallas_call(
        _tc2_body,
        grid=(nb,),
        in_specs=[
            pl.BlockSpec((2, bn, D), lambda b: (0, b, 0)),
            pl.BlockSpec((2, 1, 1, bn), lambda b: (0, b, 0, 0)),
            pl.BlockSpec((2, D), lambda b: (0, 0)),
            pl.BlockSpec((1, 1, bn), lambda b: (b, 0, 0)),
        ],
        out_specs=[
            pl.BlockSpec((bn, 2 * D), lambda b: (b, 0)),
            pl.BlockSpec((G, 2 * D), lambda b: (0, 0)),
        ],
        out_shape=[
            jax.ShapeDtypeStruct((N, 2 * D), jnp.float32),
            jax.ShapeDtypeStruct((G, 2 * D), jnp.float32),
        ],
        scratch_shapes=[
            pltpu.VMEM((G, 2 * D), jnp.float32),
            pltpu.VMEM((G, D), jnp.float32),
        ],
    )(acc, dinv4, b2s, batch3)


def kernel(x, edge_index_seq, edge_index_pair, batch, emb,
           Ws1, bs1, Ws2, bs2, Wp1, bp1, Wp2, bp2):
    i32 = jnp.int32
    ei = jnp.stack([edge_index_seq.astype(i32), edge_index_pair.astype(i32)])
    pad_src = jnp.broadcast_to((jnp.arange(EPAD, dtype=i32) % 128)[None, :],
                               (2, EPAD))
    pad_dst = jnp.full((2, EPAD), N, i32)
    src = jnp.concatenate([ei[:, 0, :], pad_src], axis=1)
    dst = jnp.concatenate([ei[:, 1, :], pad_dst], axis=1)
    edges = jnp.stack([src, dst], axis=1).reshape(2, 2, 16, RPT, 128)
    edges_flat = edges.reshape(2, 2, 16, RPT * 128)

    x_p = jnp.concatenate([x.astype(i32), jnp.zeros((NPAD - N,), i32)])
    batch_p = jnp.concatenate([batch.astype(i32), jnp.zeros((NPAD - N,), i32)])

    w1s = jnp.stack([Ws1, Wp1])
    b1s = jnp.stack([bs1, bp1]).reshape(2, 1, H)
    w2s = jnp.stack([Ws2, Wp2])
    b2s = jnp.stack([bs2, bp2])

    c_flat, dinv = _sc_deg_c(edges, edges_flat, x_p)
    c3 = c_flat.reshape(2, NPAD, V)
    dinv4 = dinv.reshape(2, NPAD // 1024, 1, 1024)
    x3 = x_p.reshape(NPAD // 1024, 1, 1024)
    batch3 = batch_p.reshape(NPAD // 1024, 1, 1024)

    t = _tc1(c3, dinv4, x3, emb, w1s, b1s, w2s)
    acc = _sc_aggregate(edges, t)
    fused_node, fused_graph = _tc2(acc, dinv4, b2s, batch3)
    return (fused_graph, fused_node)

# --- scband reference (transcript-rebuilt; emitter-appended) ---
"""Pipeline reference for scband-multi-view-rnaencoder-22093311771385 (READ-ONLY COPY).

The authoritative reference and input builder live on the scoring server;
editing this copy changes nothing except your own understanding.
"""

import jax, jax.numpy as jnp
import numpy as np

N = 10000
E = 320000
G = 64
V = 16
D = 128
H = 256


def setup_inputs(seed: int = 0) -> dict:
    key = jax.random.key(seed)
    ks = jax.random.split(key, 12)
    x = jax.random.randint(ks[0], (N,), 0, V)
    edge_index_seq = jax.random.randint(ks[1], (2, E), 0, N)
    edge_index_pair = jax.random.randint(ks[2], (2, E), 0, N)
    batch = jnp.sort(jax.random.randint(ks[3], (N,), 0, G))
    emb = jax.random.normal(ks[4], (V, D), dtype=jnp.float32) * 0.02
    s1 = 1.0 / np.sqrt(D)
    s2 = 1.0 / np.sqrt(H)
    Ws1 = jax.random.normal(ks[5], (D, H), dtype=jnp.float32) * s1
    bs1 = jnp.zeros((H,), dtype=jnp.float32)
    Ws2 = jax.random.normal(ks[6], (H, D), dtype=jnp.float32) * s2
    bs2 = jnp.zeros((D,), dtype=jnp.float32)
    Wp1 = jax.random.normal(ks[7], (D, H), dtype=jnp.float32) * s1
    bp1 = jnp.zeros((H,), dtype=jnp.float32)
    Wp2 = jax.random.normal(ks[8], (H, D), dtype=jnp.float32) * s2
    bp2 = jnp.zeros((D,), dtype=jnp.float32)
    return {"x": x, "edge_index_seq": edge_index_seq, "edge_index_pair": edge_index_pair,
            "batch": batch, "emb": emb,
            "Ws1": Ws1, "bs1": bs1, "Ws2": Ws2, "bs2": bs2,
            "Wp1": Wp1, "bp1": bp1, "Wp2": Wp2, "bp2": bp2}


def _gcn_conv(h, src, dst, W, b, n):
    # GCNConv with self-loops: D^{-1/2} A_hat D^{-1/2} (h W) + b
    hw = h @ W
    deg = jnp.zeros((n,), hw.dtype).at[dst].add(1.0)
    dinv = jnp.where(deg > 0, jax.lax.rsqrt(jnp.maximum(deg, 1e-12)), 0.0)
    norm = dinv[src] * dinv[dst]
    msg = hw[src] * norm[:, None]
    out = jnp.zeros((n, W.shape[1]), hw.dtype).at[dst].add(msg)
    return out + b


def _view_gnn(h, ei, W1, b1, W2, b2):
    n = h.shape[0]
    sl = jnp.arange(n, dtype=ei.dtype)
    src = jnp.concatenate([ei[0], sl])
    dst = jnp.concatenate([ei[1], sl])
    h1 = jax.nn.elu(_gcn_conv(h, src, dst, W1, b1, n))
    # dropout is identity at eval time
    h2 = jax.nn.elu(_gcn_conv(h1, src, dst, W2, b2, n))
    # final_node_transform is Identity (current_dim == output_node_dim)
    return h2


def _mean_pool(h, batch, g):
    s = jax.ops.segment_sum(h, batch, num_segments=g)
    cnt = jax.ops.segment_sum(jnp.ones((h.shape[0], 1), h.dtype), batch, num_segments=g)
    return s / jnp.maximum(cnt, 1.0)


def reference(x, edge_index_seq, edge_index_pair, batch, emb,
              Ws1, bs1, Ws2, bs2, Wp1, bp1, Wp2, bp2):
    h0 = jnp.take(emb, x, axis=0)
    hs = _view_gnn(h0, edge_index_seq, Ws1, bs1, Ws2, bs2)
    hp = _view_gnn(h0, edge_index_pair, Wp1, bp1, Wp2, bp2)
    gs = _mean_pool(hs, batch, G)
    gp = _mean_pool(hp, batch, G)
    # fusion_method == 'concat'; fused dim 256 == fused_representation_dim -> Identity MLPs
    fused_graph = jnp.concatenate([gs, gp], axis=1)
    fused_node = jnp.concatenate([hs, hp], axis=1)
    return (fused_graph, fused_node)

if __name__ == "__main__":
    import jax
    _d = setup_inputs()
    print(jax.jit(kernel)(*tuple(_d.values())))

</pallas_src>

<mosaic_0001>
#map = affine_map<(d0, d1) -> (0, 0, 0, 0, 0)>
#map1 = affine_map<(d0, d1) -> (0, 0, 0)>
module attributes {stable_mosaic.version = 14 : i64} {
  func.func @_sc_aggregate_body(%arg0: i32, %arg1: i32, %arg2: memref<2x2x16x160x128xi32, #tpu.memory_space<hbm>>, %arg3: memref<2x10240x128xf32, #tpu.memory_space<hbm>>, %arg4: memref<2x10240x128xf32, #tpu.memory_space<hbm>>, %arg5: memref<10240x128xf32, #tpu.memory_space<vmem_shared>>, %arg6: memref<2x2x16x128xi32, #tpu.memory_space<vmem>>, %arg7: memref<2x128x128xf32, #tpu.memory_space<vmem>>, %arg8: memref<!tpu.dma_semaphore, #tpu.memory_space<semaphore_mem>>, %arg9: memref<!tpu.dma_semaphore, #tpu.memory_space<semaphore_mem>>, %arg10: memref<!tpu.dma_semaphore, #tpu.memory_space<semaphore_mem>>) attributes {dimension_semantics = [#tpu.dimension_semantics<core_parallel>, #tpu.dimension_semantics<subcore_parallel>], iteration_bounds = array<i64: 2, 16>, scalar_prefetch = 0 : i64, scratch_operands = 6 : i64, tpu.core_type = #tpu.core_type<sc_vector_subcore>, window_params = [{transform_indices = #map}, {transform_indices = #map1}, {transform_indices = #map1}]} {
    %mul3A = arith.constant 640 : i32
    %mul3A_0 = arith.muli %arg1, %mul3A : i32
    %mul3A_1 = arith.constant 640 : i32
    %mul3A_2 = arith.muli %arg1, %mul3A_1 : i32
    "tpu.region"() ({
      %run_scoped3A = tpu.sem_alloc : memref<!tpu.dma_semaphore, #tpu.memory_space<semaphore_mem>>
      %dma_start3A_108 = arith.constant 0 : i32
      %dma_start3A_109 = tpu.memref_slice %arg5[%mul3A_2, %dma_start3A_108] : memref<10240x128xf32, #tpu.memory_space<vmem_shared>> -> memref<640x128xf32, #tpu.memory_space<vmem_shared>>
      %dma_start3A_110 = arith.constant 0 : i32
      %dma_start3A_111 = tpu.memref_slice %arg3[%arg0, %mul3A_0, %dma_start3A_110] : memref<2x10240x128xf32, #tpu.memory_space<hbm>> -> memref<1x640x128xf32, #tpu.memory_space<hbm>>
      %dma_start3A_112 = tpu.memref_squeeze %dma_start3A_111 : memref<1x640x128xf32, #tpu.memory_space<hbm>> -> memref<640x128xf32, #tpu.memory_space<hbm>>
      tpu.enqueue_dma source(%dma_start3A_112 : memref<640x128xf32, #tpu.memory_space<hbm>>) target(%dma_start3A_109 : memref<640x128xf32, #tpu.memory_space<vmem_shared>>) target_semaphore(%run_scoped3A : memref<!tpu.dma_semaphore, #tpu.memory_space<semaphore_mem>>)
      %dma_wait3A_113 = arith.constant 0 : i32
      %dma_wait3A_114 = tpu.memref_slice %arg5[%mul3A_2, %dma_wait3A_113] : memref<10240x128xf32, #tpu.memory_space<vmem_shared>> -> memref<640x128xf32, #tpu.memory_space<vmem_shared>>
      %dma_wait3A_115 = arith.constant 0 : i32
      %dma_wait3A_116 = tpu.memref_slice %arg3[%arg0, %mul3A_0, %dma_wait3A_115] : memref<2x10240x128xf32, #tpu.memory_space<hbm>> -> memref<1x640x128xf32, #tpu.memory_space<hbm>>
      %dma_wait3A_117 = tpu.memref_squeeze %dma_wait3A_116 : memref<1x640x128xf32, #tpu.memory_space<hbm>> -> memref<640x128xf32, #tpu.memory_space<hbm>>
      tpu.wait_dma2 semaphore(%run_scoped3A : memref<!tpu.dma_semaphore, #tpu.memory_space<semaphore_mem>>) src(%dma_wait3A_117 : memref<640x128xf32, #tpu.memory_space<hbm>>) dst(%dma_wait3A_114 : memref<640x128xf32, #tpu.memory_space<vmem_shared>>)
      tpu.yield
    }) : () -> ()
    %barrier3A = arith.constant 0 : index
    tpu.barrier barrier_id(%barrier3A)
    %dma_start3A = arith.constant 0 : i32
    %dma_start3A_3 = arith.constant 0 : i32
    %dma_start3A_4 = arith.constant 0 : i32
    %dma_start3A_5 = arith.constant 0 : i32
    %dma_start3A_6 = tpu.memref_slice %arg6[%dma_start3A, %dma_start3A_3, %dma_start3A_4, %dma_start3A_5] : memref<2x2x16x128xi32, #tpu.memory_space<vmem>> -> memref<1x2x16x128xi32, #tpu.memory_space<vmem>>
    %dma_start3A_7 = tpu.memref_squeeze %dma_start3A_6 : memref<1x2x16x128xi32, #tpu.memory_space<vmem>> -> memref<2x16x128xi32, #tpu.memory_space<vmem>>
    %dma_start3A_8 = arith.constant 0 : i32
    %dma_start3A_9 = arith.constant 0 : i32
    %dma_start3A_10 = arith.constant 0 : i32
    %dma_start3A_11 = tpu.memref_slice %arg2[%arg0, %dma_start3A_8, %arg1, %dma_start3A_9, %dma_start3A_10] : memref<2x2x16x160x128xi32, #tpu.memory_space<hbm>> -> memref<1x2x1x16x128xi32, #tpu.memory_space<hbm>>
    %dma_start3A_12 = tpu.memref_squeeze %dma_start3A_11 : memref<1x2x1x16x128xi32, #tpu.memory_space<hbm>> -> memref<2x16x128xi32, #tpu.memory_space<hbm>>
    %dma_start3A_13 = arith.constant 0 : i32
    %dma_start3A_14 = arith.constant 0 : i32
    %dma_start3A_15 = arith.constant 0 : i32
    %dma_start3A_16 = tpu.memref_slice %arg6[%dma_start3A, %dma_start3A_13, %dma_start3A_14, %dma_start3A_15] : memref<2x2x16x128xi32, #tpu.memory_space<vmem>> -> memref<1x2x16x128xi32, #tpu.memory_space<vmem>>
    %dma_start3A_17 = tpu.memref_squeeze %dma_start3A_16 : memref<1x2x16x128xi32, #tpu.memory_space<vmem>> -> memref<2x16x128xi32, #tpu.memory_space<vmem>>
    %dma_start3A_18 = arith.constant 0 : i32
    %dma_start3A_19 = arith.constant 0 : i32
    %dma_start3A_20 = arith.constant 0 : i32
    %dma_start3A_21 = tpu.memref_slice %arg2[%arg0, %dma_start3A_18, %arg1, %dma_start3A_19, %dma_start3A_20] : memref<2x2x16x160x128xi32, #tpu.memory_space<hbm>> -> memref<1x2x1x16x128xi32, #tpu.memory_space<hbm>>
    %dma_start3A_22 = tpu.memref_squeeze %dma_start3A_21 : memref<1x2x1x16x128xi32, #tpu.memory_space<hbm>> -> memref<2x16x128xi32, #tpu.memory_space<hbm>>
    tpu.enqueue_dma source(%dma_start3A_22 : memref<2x16x128xi32, #tpu.memory_space<hbm>>) target(%dma_start3A_17 : memref<2x16x128xi32, #tpu.memory_space<vmem>>) target_semaphore(%arg8 : memref<!tpu.dma_semaphore, #tpu.memory_space<semaphore_mem>>)
    %dma_wait3A = arith.constant 0 : i32
    %dma_wait3A_23 = arith.constant 0 : i32
    %dma_wait3A_24 = arith.constant 0 : i32
    %dma_wait3A_25 = arith.constant 0 : i32
    %dma_wait3A_26 = tpu.memref_slice %arg6[%dma_wait3A, %dma_wait3A_23, %dma_wait3A_24, %dma_wait3A_25] : memref<2x2x16x128xi32, #tpu.memory_space<vmem>> -> memref<1x2x16x128xi32, #tpu.memory_space<vmem>>
    %dma_wait3A_27 = tpu.memref_squeeze %dma_wait3A_26 : memref<1x2x16x128xi32, #tpu.memory_space<vmem>> -> memref<2x16x128xi32, #tpu.memory_space<vmem>>
    %dma_wait3A_28 = arith.constant 0 : i32
    %dma_wait3A_29 = arith.constant 0 : i32
    %dma_wait3A_30 = arith.constant 0 : i32
    %dma_wait3A_31 = tpu.memref_slice %arg2[%arg0, %dma_wait3A_28, %arg1, %dma_wait3A_29, %dma_wait3A_30] : memref<2x2x16x160x128xi32, #tpu.memory_space<hbm>> -> memref<1x2x1x16x128xi32, #tpu.memory_space<hbm>>
    %dma_wait3A_32 = tpu.memref_squeeze %dma_wait3A_31 : memref<1x2x1x16x128xi32, #tpu.memory_space<hbm>> -> memref<2x16x128xi32, #tpu.memory_space<hbm>>
    %dma_wait3A_33 = arith.constant 0 : i32
    %dma_wait3A_34 = arith.constant 0 : i32
    %dma_wait3A_35 = arith.constant 0 : i32
    %dma_wait3A_36 = tpu.memref_slice %arg6[%dma_wait3A, %dma_wait3A_33, %dma_wait3A_34, %dma_wait3A_35] : memref<2x2x16x128xi32, #tpu.memory_space<vmem>> -> memref<1x2x16x128xi32, #tpu.memory_space<vmem>>
    %dma_wait3A_37 = tpu.memref_squeeze %dma_wait3A_36 : memref<1x2x16x128xi32, #tpu.memory_space<vmem>> -> memref<2x16x128xi32, #tpu.memory_space<vmem>>
    %dma_wait3A_38 = arith.constant 0 : i32
    %dma_wait3A_39 = arith.constant 0 : i32
    %dma_wait3A_40 = arith.constant 0 : i32
    %dma_wait3A_41 = tpu.memref_slice %arg2[%arg0, %dma_wait3A_38, %arg1, %dma_wait3A_39, %dma_wait3A_40] : memref<2x2x16x160x128xi32, #tpu.memory_space<hbm>> -> memref<1x2x1x16x128xi32, #tpu.memory_space<hbm>>
    %dma_wait3A_42 = tpu.memref_squeeze %dma_wait3A_41 : memref<1x2x1x16x128xi32, #tpu.memory_space<hbm>> -> memref<2x16x128xi32, #tpu.memory_space<hbm>>
    tpu.wait_dma2 semaphore(%arg8 : memref<!tpu.dma_semaphore, #tpu.memory_space<semaphore_mem>>) src(%dma_wait3A_42 : memref<2x16x128xi32, #tpu.memory_space<hbm>>) dst(%dma_wait3A_37 : memref<2x16x128xi32, #tpu.memory_space<vmem>>)
    %dma_start3A_43 = arith.constant 1 : i32
    %dma_start3A_44 = arith.constant 0 : i32
    %dma_start3A_45 = arith.constant 0 : i32
    %dma_start3A_46 = arith.constant 0 : i32
    %dma_start3A_47 = tpu.memref_slice %arg6[%dma_start3A_43, %dma_start3A_44, %dma_start3A_45, %dma_start3A_46] : memref<2x2x16x128xi32, #tpu.memory_space<vmem>> -> memref<1x2x16x128xi32, #tpu.memory_space<vmem>>
    %dma_start3A_48 = tpu.memref_squeeze %dma_start3A_47 : memref<1x2x16x128xi32, #tpu.memory_space<vmem>> -> memref<2x16x128xi32, #tpu.memory_space<vmem>>
    %dma_start3A_49 = arith.constant 0 : i32
    %dma_start3A_50 = arith.constant 16 : i32
    %dma_start3A_51 = arith.constant 0 : i32
    %dma_start3A_52 = tpu.memref_slice %arg2[%arg0, %dma_start3A_49, %arg1, %dma_start3A_50, %dma_start3A_51] : memref<2x2x16x160x128xi32, #tpu.memory_space<hbm>> -> memref<1x2x1x16x128xi32, #tpu.memory_space<hbm>>
    %dma_start3A_53 = tpu.memref_squeeze %dma_start3A_52 : memref<1x2x1x16x128xi32, #tpu.memory_space<hbm>> -> memref<2x16x128xi32, #tpu.memory_space<hbm>>
    %dma_start3A_54 = arith.constant 0 : i32
    %dma_start3A_55 = arith.constant 0 : i32
    %dma_start3A_56 = arith.constant 0 : i32
    %dma_start3A_57 = tpu.memref_slice %arg6[%dma_start3A_43, %dma_start3A_54, %dma_start3A_55, %dma_start3A_56] : memref<2x2x16x128xi32, #tpu.memory_space<vmem>> -> memref<1x2x16x128xi32, #tpu.memory_space<vmem>>
    %dma_start3A_58 = tpu.memref_squeeze %dma_start3A_57 : memref<1x2x16x128xi32, #tpu.memory_space<vmem>> -> memref<2x16x128xi32, #tpu.memory_space<vmem>>
    %dma_start3A_59 = arith.constant 0 : i32
    %dma_start3A_60 = arith.constant 16 : i32
    %dma_start3A_61 = arith.constant 0 : i32
    %dma_start3A_62 = tpu.memref_slice %arg2[%arg0, %dma_start3A_59, %arg1, %dma_start3A_60, %dma_start3A_61] : memref<2x2x16x160x128xi32, #tpu.memory_space<hbm>> -> memref<1x2x1x16x128xi32, #tpu.memory_space<hbm>>
    %dma_start3A_63 = tpu.memref_squeeze %dma_start3A_62 : memref<1x2x1x16x128xi32, #tpu.memory_space<hbm>> -> memref<2x16x128xi32, #tpu.memory_space<hbm>>
    tpu.enqueue_dma source(%dma_start3A_63 : memref<2x16x128xi32, #tpu.memory_space<hbm>>) target(%dma_start3A_58 : memref<2x16x128xi32, #tpu.memory_space<vmem>>) target_semaphore(%arg8 : memref<!tpu.dma_semaphore, #tpu.memory_space<semaphore_mem>>)
    %dma_start3A_64 = arith.constant 0 : i32
    %dma_start3A_65 = arith.constant 0 : i32
    %dma_start3A_66 = arith.constant 0 : i32
    %dma_start3A_67 = arith.constant 0 : i32
    %dma_start3A_68 = arith.constant 0 : i32
    %dma_start3A_69 = arith.constant 0 : i32
    %dma_start3A_70 = tpu.memref_slice %arg7[%dma_start3A_67, %dma_start3A_68, %dma_start3A_69] : memref<2x128x128xf32, #tpu.memory_space<vmem>> -> memref<1x128x128xf32, #tpu.memory_space<vmem>>
    %dma_start3A_71 = tpu.memref_squeeze %dma_start3A_70 : memref<1x128x128xf32, #tpu.memory_space<vmem>> -> memref<128x128xf32, #tpu.memory_space<vmem>>
    %dma_start3A_72 = arith.constant 0 : i32
    %dma_start3A_73 = tpu.memref_slice %arg6[%dma_start3A_64, %dma_start3A_65, %dma_start3A_66, %dma_start3A_72] : memref<2x2x16x128xi32, #tpu.memory_space<vmem>> -> memref<1x1x1x128xi32, #tpu.memory_space<vmem>>
    %dma_start3A_74 = tpu.memref_squeeze %dma_start3A_73 : memref<1x1x1x128xi32, #tpu.memory_space<vmem>> -> memref<128xi32, #tpu.memory_space<vmem>>
    %dma_start3A_75 = arith.constant 0 : i32
    %dma_start3A_76 = arith.constant 0 : i32
    %dma_start3A_77 = tpu.memref_slice %arg3[%arg0, %dma_start3A_75, %dma_start3A_76] : memref<2x10240x128xf32, #tpu.memory_space<hbm>> -> memref<1x10240x128xf32, #tpu.memory_space<hbm>>
    %dma_start3A_78 = tpu.memref_squeeze %dma_start3A_77 : memref<1x10240x128xf32, #tpu.memory_space<hbm>> -> memref<10240x128xf32, #tpu.memory_space<hbm>>
    %dma_start3A_79 = arith.constant 0 : i32
    %dma_start3A_80 = arith.constant 0 : i32
    %dma_start3A_81 = tpu.memref_slice %dma_start3A_78[%dma_start3A_79, %dma_start3A_80] : memref<10240x128xf32, #tpu.memory_space<hbm>> -> memref<10240x128xf32, #tpu.memory_space<hbm>>
    tpu.enqueue_indirect_dma source(%dma_start3A_81 : memref<10240x128xf32, #tpu.memory_space<hbm>>) target(%dma_start3A_71 : memref<128x128xf32, #tpu.memory_space<vmem>>) offsets(%dma_start3A_74 : memref<128xi32, #tpu.memory_space<vmem>>) semaphore(%arg9 : memref<!tpu.dma_semaphore, #tpu.memory_space<semaphore_mem>>)
    %scan3A = arith.constant 0 : i32
    %scan3A_82 = arith.constant 0 : i32
    %scan3A_83 = arith.constant 160 : i32
    %scan3A_84 = arith.addi %scan3A_82, %scan3A_83 : i32
    %scan3A_85 = arith.constant 1 : i32
    %scan3A_86 = scf.for %scan3A_108 = %scan3A_82 to %scan3A_84 step %scan3A_85 iter_args(%scan3A_109 = %scan3A) -> (i32)  : i32 {
      %jit3A = arith.constant 16 : i32
      %div3A = arith.divsi %scan3A_108, %jit3A : i32
      %sign3A = arith.constant 0 : i32
      %sign3A_110 = arith.cmpi sgt, %scan3A_108, %sign3A : i32
      %sign3A_111 = arith.extui %sign3A_110 : i1 to i32
      %sign3A_112 = arith.constant 0 : i32
      %sign3A_113 = arith.cmpi slt, %scan3A_108, %sign3A_112 : i32
      %sign3A_114 = arith.extui %sign3A_113 : i1 to i32
      %sign3A_115 = arith.subi %sign3A_111, %sign3A_114 : i32
      %sign3A_116 = arith.constant 0 : i32
      %sign3A_117 = arith.cmpi sgt, %jit3A, %sign3A_116 : i32
      %sign3A_118 = arith.extui %sign3A_117 : i1 to i32
      %sign3A_119 = arith.constant 0 : i32
      %sign3A_120 = arith.cmpi slt, %jit3A, %sign3A_119 : i32
      %sign3A_121 = arith.extui %sign3A_120 : i1 to i32
      %sign3A_122 = arith.subi %sign3A_118, %sign3A_121 : i32
      %ne3A = arith.cmpi ne, %sign3A_115, %sign3A_122 : i32
      %rem3A_123 = arith.remsi %scan3A_108, %jit3A : i32
      %ne3A_124 = arith.constant 0 : i32
      %ne3A_125 = arith.cmpi ne, %rem3A_123, %ne3A_124 : i32
      %and3A = arith.andi %ne3A, %ne3A_125 : i1
      %sub3A = arith.constant 1 : i32
      %sub3A_126 = arith.subi %div3A, %sub3A : i32
      %select_n3A = arith.select %and3A, %sub3A_126, %div3A : i32
      %rem3A_127 = arith.constant 2 : i32
      %rem3A_128 = arith.remsi %select_n3A, %rem3A_127 : i32
      %rem3A_129 = arith.constant 16 : i32
      %rem3A_130 = arith.remsi %scan3A_108, %rem3A_129 : i32
      %rem3A_131 = arith.constant 2 : i32
      %rem3A_132 = arith.remsi %scan3A_108, %rem3A_131 : i32
      %dma_wait3A_133 = arith.constant 0 : i32
      %dma_wait3A_134 = arith.constant 0 : i32
      %dma_wait3A_135 = arith.constant 0 : i32
      %dma_wait3A_136 = tpu.memref_slice %arg7[%rem3A_132, %dma_wait3A_134, %dma_wait3A_135] : memref<2x128x128xf32, #tpu.memory_space<vmem>> -> memref<1x128x128xf32, #tpu.memory_space<vmem>>
      %dma_wait3A_137 = tpu.memref_squeeze %dma_wait3A_136 : memref<1x128x128xf32, #tpu.memory_space<vmem>> -> memref<128x128xf32, #tpu.memory_space<vmem>>
      %dma_wait3A_138 = arith.constant 0 : i32
      %dma_wait3A_139 = tpu.memref_slice %arg6[%rem3A_128, %dma_wait3A_133, %rem3A_130, %dma_wait3A_138] : memref<2x2x16x128xi32, #tpu.memory_space<vmem>> -> memref<1x1x1x128xi32, #tpu.memory_space<vmem>>
      %dma_wait3A_140 = tpu.memref_squeeze %dma_wait3A_139 : memref<1x1x1x128xi32, #tpu.memory_space<vmem>> -> memref<128xi32, #tpu.memory_space<vmem>>
      %dma_wait3A_141 = arith.constant 0 : i32
      %dma_wait3A_142 = arith.constant 0 : i32
      %dma_wait3A_143 = tpu.memref_slice %arg3[%arg0, %dma_wait3A_141, %dma_wait3A_142] : memref<2x10240x128xf32, #tpu.memory_space<hbm>> -> memref<1x10240x128xf32, #tpu.memory_space<hbm>>
      %dma_wait3A_144 = tpu.memref_squeeze %dma_wait3A_143 : memref<1x10240x128xf32, #tpu.memory_space<hbm>> -> memref<10240x128xf32, #tpu.memory_space<hbm>>
      %dma_wait3A_145 = arith.constant 0 : i32
      %dma_wait3A_146 = arith.constant 0 : i32
      %dma_wait3A_147 = tpu.memref_slice %dma_wait3A_144[%dma_wait3A_145, %dma_wait3A_146] : memref<10240x128xf32, #tpu.memory_space<hbm>> -> memref<10240x128xf32, #tpu.memory_space<hbm>>
      tpu.wait_indirect_dma semaphore(%arg9 : memref<!tpu.dma_semaphore, #tpu.memory_space<semaphore_mem>>) src(%dma_wait3A_147 : memref<10240x128xf32, #tpu.memory_space<hbm>>) dst(%dma_wait3A_137 : memref<128x128xf32, #tpu.memory_space<vmem>>)
      %dma_start3A_148 = arith.constant 1 : i32
      %dma_start3A_149 = arith.constant 0 : i32
      %dma_start3A_150 = arith.constant 0 : i32
      %dma_start3A_151 = tpu.memref_slice %arg7[%rem3A_132, %dma_start3A_149, %dma_start3A_150] : memref<2x128x128xf32, #tpu.memory_space<vmem>> -> memref<1x128x128xf32, #tpu.memory_space<vmem>>
      %dma_start3A_152 = tpu.memref_squeeze %dma_start3A_151 : memref<1x128x128xf32, #tpu.memory_space<vmem>> -> memref<128x128xf32, #tpu.memory_space<vmem>>
      %dma_start3A_153 = arith.constant 0 : i32
      %dma_start3A_154 = tpu.memref_slice %arg6[%rem3A_128, %dma_start3A_148, %rem3A_130, %dma_start3A_153] : memref<2x2x16x128xi32, #tpu.memory_space<vmem>> -> memref<1x1x1x128xi32, #tpu.memory_space<vmem>>
      %dma_start3A_155 = tpu.memref_squeeze %dma_start3A_154 : memref<1x1x1x128xi32, #tpu.memory_space<vmem>> -> memref<128xi32, #tpu.memory_space<vmem>>
      %dma_start3A_156 = arith.constant 0 : i32
      %dma_start3A_157 = arith.constant 0 : i32
      %dma_start3A_158 = tpu.memref_slice %arg5[%dma_start3A_156, %dma_start3A_157] : memref<10240x128xf32, #tpu.memory_space<vmem_shared>> -> memref<10240x128xf32, #tpu.memory_space<vmem_shared>>
      tpu.enqueue_indirect_dma source(%dma_start3A_152 : memref<128x128xf32, #tpu.memory_space<vmem>>) target(%dma_start3A_158 : memref<10240x128xf32, #tpu.memory_space<vmem_shared>>) offsets(%dma_start3A_155 : memref<128xi32, #tpu.memory_space<vmem>>) semaphore(%arg10 : memref<!tpu.dma_semaphore, #tpu.memory_space<semaphore_mem>>) {add = true}
      %ge3A = arith.constant 1 : i32
      %ge3A_159 = arith.cmpi sge, %scan3A_108, %ge3A : i32
      %convert_element_type3A = arith.extui %ge3A_159 : i1 to i32
      %cond3A = arith.constant 0 : i32
      %cond3A_160 = arith.cmpi ne, %convert_element_type3A, %cond3A : i32
      scf.if %cond3A_160 {
        %sub3A_189 = arith.constant 1 : i32
        %sub3A_190 = arith.subi %sub3A_189, %rem3A_132 : i32
        %dma_wait3A_191 = arith.constant 1 : i32
        %dma_wait3A_192 = arith.constant 0 : i32
        %dma_wait3A_193 = arith.constant 0 : i32
        %dma_wait3A_194 = tpu.memref_slice %arg7[%sub3A_190, %dma_wait3A_192, %dma_wait3A_193] : memref<2x128x128xf32, #tpu.memory_space<vmem>> -> memref<1x128x128xf32, #tpu.memory_space<vmem>>
        %dma_wait3A_195 = tpu.memref_squeeze %dma_wait3A_194 : memref<1x128x128xf32, #tpu.memory_space<vmem>> -> memref<128x128xf32, #tpu.memory_space<vmem>>
        %dma_wait3A_196 = arith.constant 0 : i32
        %dma_wait3A_197 = tpu.memref_slice %arg6[%rem3A_128, %dma_wait3A_191, %rem3A_130, %dma_wait3A_196] : memref<2x2x16x128xi32, #tpu.memory_space<vmem>> -> memref<1x1x1x128xi32, #tpu.memory_space<vmem>>
        %dma_wait3A_198 = tpu.memref_squeeze %dma_wait3A_197 : memref<1x1x1x128xi32, #tpu.memory_space<vmem>> -> memref<128xi32, #tpu.memory_space<vmem>>
        %dma_wait3A_199 = arith.constant 0 : i32
        %dma_wait3A_200 = arith.constant 0 : i32
        %dma_wait3A_201 = tpu.memref_slice %arg5[%dma_wait3A_199, %dma_wait3A_200] : memref<10240x128xf32, #tpu.memory_space<vmem_shared>> -> memref<10240x128xf32, #tpu.memory_space<vmem_shared>>
        tpu.wait_indirect_dma semaphore(%arg10 : memref<!tpu.dma_semaphore, #tpu.memory_space<semaphore_mem>>) src(%dma_wait3A_195 : memref<128x128xf32, #tpu.memory_space<vmem>>) dst(%dma_wait3A_201 : memref<10240x128xf32, #tpu.memory_space<vmem_shared>>)
      } else {
      }
      %eq3A = arith.constant 0 : i32
      %eq3A_161 = arith.cmpi eq, %rem3A_130, %eq3A : i32
      %ge3A_162 = arith.constant 16 : i32
      %ge3A_163 = arith.cmpi sge, %scan3A_108, %ge3A_162 : i32
      %and3A_164 = arith.andi %eq3A_161, %ge3A_163 : i1
      %add3A = arith.constant 16 : i32
      %add3A_165 = arith.addi %scan3A_108, %add3A : i32
      %lt3A = arith.constant 160 : i32
      %lt3A_166 = arith.cmpi slt, %add3A_165, %lt3A : i32
      %and3A_167 = arith.andi %and3A_164, %lt3A_166 : i1
      %convert_element_type3A_168 = arith.extui %and3A_167 : i1 to i32
      %cond3A_169 = arith.constant 0 : i32
      %cond3A_170 = arith.cmpi ne, %convert_element_type3A_168, %cond3A_169 : i32
      scf.if %cond3A_170 {
        %jit3A_189 = arith.constant 16 : i32
        %div3A_190 = arith.divsi %scan3A_108, %jit3A_189 : i32
        %sign3A_191 = arith.constant 0 : i32
        %sign3A_192 = arith.cmpi sgt, %scan3A_108, %sign3A_191 : i32
        %sign3A_193 = arith.extui %sign3A_192 : i1 to i32
        %sign3A_194 = arith.constant 0 : i32
        %sign3A_195 = arith.cmpi slt, %scan3A_108, %sign3A_194 : i32
        %sign3A_196 = arith.extui %sign3A_195 : i1 to i32
        %sign3A_197 = arith.subi %sign3A_193, %sign3A_196 : i32
        %sign3A_198 = arith.constant 0 : i32
        %sign3A_199 = arith.cmpi sgt, %jit3A_189, %sign3A_198 : i32
        %sign3A_200 = arith.extui %sign3A_199 : i1 to i32
        %sign3A_201 = arith.constant 0 : i32
        %sign3A_202 = arith.cmpi slt, %jit3A_189, %sign3A_201 : i32
        %sign3A_203 = arith.extui %sign3A_202 : i1 to i32
        %sign3A_204 = arith.subi %sign3A_200, %sign3A_203 : i32
        %ne3A_205 = arith.cmpi ne, %sign3A_197, %sign3A_204 : i32
        %rem3A_206 = arith.remsi %scan3A_108, %jit3A_189 : i32
        %ne3A_207 = arith.constant 0 : i32
        %ne3A_208 = arith.cmpi ne, %rem3A_206, %ne3A_207 : i32
        %and3A_209 = arith.andi %ne3A_205, %ne3A_208 : i1
        %sub3A_210 = arith.constant 1 : i32
        %sub3A_211 = arith.subi %div3A_190, %sub3A_210 : i32
        %select_n3A_212 = arith.select %and3A_209, %sub3A_211, %div3A_190 : i32
        %add3A_213 = arith.constant 1 : i32
        %add3A_214 = arith.addi %select_n3A_212, %add3A_213 : i32
        %jit3A_215 = arith.constant 16 : i32
        %div3A_216 = arith.divsi %scan3A_108, %jit3A_215 : i32
        %sign3A_217 = arith.constant 0 : i32
        %sign3A_218 = arith.cmpi sgt, %scan3A_108, %sign3A_217 : i32
        %sign3A_219 = arith.extui %sign3A_218 : i1 to i32
        %sign3A_220 = arith.constant 0 : i32
        %sign3A_221 = arith.cmpi slt, %scan3A_108, %sign3A_220 : i32
        %sign3A_222 = arith.extui %sign3A_221 : i1 to i32
        %sign3A_223 = arith.subi %sign3A_219, %sign3A_222 : i32
        %sign3A_224 = arith.constant 0 : i32
        %sign3A_225 = arith.cmpi sgt, %jit3A_215, %sign3A_224 : i32
        %sign3A_226 = arith.extui %sign3A_225 : i1 to i32
        %sign3A_227 = arith.constant 0 : i32
        %sign3A_228 = arith.cmpi slt, %jit3A_215, %sign3A_227 : i32
        %sign3A_229 = arith.extui %sign3A_228 : i1 to i32
        %sign3A_230 = arith.subi %sign3A_226, %sign3A_229 : i32
        %ne3A_231 = arith.cmpi ne, %sign3A_223, %sign3A_230 : i32
        %rem3A_232 = arith.remsi %scan3A_108, %jit3A_215 : i32
        %ne3A_233 = arith.constant 0 : i32
        %ne3A_234 = arith.cmpi ne, %rem3A_232, %ne3A_233 : i32
        %and3A_235 = arith.andi %ne3A_231, %ne3A_234 : i1
        %sub3A_236 = arith.constant 1 : i32
        %sub3A_237 = arith.subi %div3A_216, %sub3A_236 : i32
        %select_n3A_238 = arith.select %and3A_235, %sub3A_237, %div3A_216 : i32
        %add3A_239 = arith.constant 1 : i32
        %add3A_240 = arith.addi %select_n3A_238, %add3A_239 : i32
        %rem3A_241 = arith.constant 2 : i32
        %rem3A_242 = arith.remsi %add3A_240, %rem3A_241 : i32
        %mul3A_243 = arith.constant 16 : i32
        %mul3A_244 = arith.muli %add3A_214, %mul3A_243 : i32
        %dma_start3A_245 = arith.constant 0 : i32
        %dma_start3A_246 = arith.constant 0 : i32
        %dma_start3A_247 = arith.constant 0 : i32
        %dma_start3A_248 = tpu.memref_slice %arg6[%rem3A_242, %dma_start3A_245, %dma_start3A_246, %dma_start3A_247] : memref<2x2x16x128xi32, #tpu.memory_space<vmem>> -> memref<1x2x16x128xi32, #tpu.memory_space<vmem>>
        %dma_start3A_249 = tpu.memref_squeeze %dma_start3A_248 : memref<1x2x16x128xi32, #tpu.memory_space<vmem>> -> memref<2x16x128xi32, #tpu.memory_space<vmem>>
        %dma_start3A_250 = arith.constant 0 : i32
        %dma_start3A_251 = arith.constant 0 : i32
        %dma_start3A_252 = tpu.memref_slice %arg2[%arg0, %dma_start3A_250, %arg1, %mul3A_244, %dma_start3A_251] : memref<2x2x16x160x128xi32, #tpu.memory_space<hbm>> -> memref<1x2x1x16x128xi32, #tpu.memory_space<hbm>>
        %dma_start3A_253 = tpu.memref_squeeze %dma_start3A_252 : memref<1x2x1x16x128xi32, #tpu.memory_space<hbm>> -> memref<2x16x128xi32, #tpu.memory_space<hbm>>
        %dma_start3A_254 = arith.constant 0 : i32
        %dma_start3A_255 = arith.constant 0 : i32
        %dma_start3A_256 = arith.constant 0 : i32
        %dma_start3A_257 = tpu.memref_slice %arg6[%rem3A_242, %dma_start3A_254, %dma_start3A_255, %dma_start3A_256] : memref<2x2x16x128xi32, #tpu.memory_space<vmem>> -> memref<1x2x16x128xi32, #tpu.memory_space<vmem>>
        %dma_start3A_258 = tpu.memref_squeeze %dma_start3A_257 : memref<1x2x16x128xi32, #tpu.memory_space<vmem>> -> memref<2x16x128xi32, #tpu.memory_space<vmem>>
        %dma_start3A_259 = arith.constant 0 : i32
        %dma_start3A_260 = arith.constant 0 : i32
        %dma_start3A_261 = tpu.memref_slice %arg2[%arg0, %dma_start3A_259, %arg1, %mul3A_244, %dma_start3A_260] : memref<2x2x16x160x128xi32, #tpu.memory_space<hbm>> -> memref<1x2x1x16x128xi32, #tpu.memory_space<hbm>>
        %dma_start3A_262 = tpu.memref_squeeze %dma_start3A_261 : memref<1x2x1x16x128xi32, #tpu.memory_space<hbm>> -> memref<2x16x128xi32, #tpu.memory_space<hbm>>
        tpu.enqueue_dma source(%dma_start3A_262 : memref<2x16x128xi32, #tpu.memory_space<hbm>>) target(%dma_start3A_258 : memref<2x16x128xi32, #tpu.memory_space<vmem>>) target_semaphore(%arg8 : memref<!tpu.dma_semaphore, #tpu.memory_space<semaphore_mem>>)
      } else {
      }
      %eq3A_171 = arith.constant 15 : i32
      %eq3A_172 = arith.cmpi eq, %rem3A_130, %eq3A_171 : i32
      %add3A_173 = arith.constant 1 : i32
      %add3A_174 = arith.addi %scan3A_108, %add3A_173 : i32
      %lt3A_175 = arith.constant 160 : i32
      %lt3A_176 = arith.cmpi slt, %add3A_174, %lt3A_175 : i32
      %and3A_177 = arith.andi %eq3A_172, %lt3A_176 : i1
      %convert_element_type3A_178 = arith.extui %and3A_177 : i1 to i32
      %cond3A_179 = arith.constant 0 : i32
      %cond3A_180 = arith.cmpi ne, %convert_element_type3A_178, %cond3A_179 : i32
      scf.if %cond3A_180 {
        %add3A_189 = arith.constant 1 : i32
        %add3A_190 = arith.addi %scan3A_108, %add3A_189 : i32
        %jit3A_191 = arith.constant 16 : i32
        %div3A_192 = arith.divsi %add3A_190, %jit3A_191 : i32
        %sign3A_193 = arith.constant 0 : i32
        %sign3A_194 = arith.cmpi sgt, %add3A_190, %sign3A_193 : i32
        %sign3A_195 = arith.extui %sign3A_194 : i1 to i32
        %sign3A_196 = arith.constant 0 : i32
        %sign3A_197 = arith.cmpi slt, %add3A_190, %sign3A_196 : i32
        %sign3A_198 = arith.extui %sign3A_197 : i1 to i32
        %sign3A_199 = arith.subi %sign3A_195, %sign3A_198 : i32
        %sign3A_200 = arith.constant 0 : i32
        %sign3A_201 = arith.cmpi sgt, %jit3A_191, %sign3A_200 : i32
        %sign3A_202 = arith.extui %sign3A_201 : i1 to i32
        %sign3A_203 = arith.constant 0 : i32
        %sign3A_204 = arith.cmpi slt, %jit3A_191, %sign3A_203 : i32
        %sign3A_205 = arith.extui %sign3A_204 : i1 to i32
        %sign3A_206 = arith.subi %sign3A_202, %sign3A_205 : i32
        %ne3A_207 = arith.cmpi ne, %sign3A_199, %sign3A_206 : i32
        %rem3A_208 = arith.remsi %add3A_190, %jit3A_191 : i32
        %ne3A_209 = arith.constant 0 : i32
        %ne3A_210 = arith.cmpi ne, %rem3A_208, %ne3A_209 : i32
        %and3A_211 = arith.andi %ne3A_207, %ne3A_210 : i1
        %sub3A_212 = arith.constant 1 : i32
        %sub3A_213 = arith.subi %div3A_192, %sub3A_212 : i32
        %select_n3A_214 = arith.select %and3A_211, %sub3A_213, %div3A_192 : i32
        %add3A_215 = arith.constant 1 : i32
        %add3A_216 = arith.addi %scan3A_108, %add3A_215 : i32
        %jit3A_217 = arith.constant 16 : i32
        %div3A_218 = arith.divsi %add3A_216, %jit3A_217 : i32
        %sign3A_219 = arith.constant 0 : i32
        %sign3A_220 = arith.cmpi sgt, %add3A_216, %sign3A_219 : i32
        %sign3A_221 = arith.extui %sign3A_220 : i1 to i32
        %sign3A_222 = arith.constant 0 : i32
        %sign3A_223 = arith.cmpi slt, %add3A_216, %sign3A_222 : i32
        %sign3A_224 = arith.extui %sign3A_223 : i1 to i32
        %sign3A_225 = arith.subi %sign3A_221, %sign3A_224 : i32
        %sign3A_226 = arith.constant 0 : i32
        %sign3A_227 = arith.cmpi sgt, %jit3A_217, %sign3A_226 : i32
        %sign3A_228 = arith.extui %sign3A_227 : i1 to i32
        %sign3A_229 = arith.constant 0 : i32
        %sign3A_230 = arith.cmpi slt, %jit3A_217, %sign3A_229 : i32
        %sign3A_231 = arith.extui %sign3A_230 : i1 to i32
        %sign3A_232 = arith.subi %sign3A_228, %sign3A_231 : i32
        %ne3A_233 = arith.cmpi ne, %sign3A_225, %sign3A_232 : i32
        %rem3A_234 = arith.remsi %add3A_216, %jit3A_217 : i32
        %ne3A_235 = arith.constant 0 : i32
        %ne3A_236 = arith.cmpi ne, %rem3A_234, %ne3A_235 : i32
        %and3A_237 = arith.andi %ne3A_233, %ne3A_236 : i1
        %sub3A_238 = arith.constant 1 : i32
        %sub3A_239 = arith.subi %div3A_218, %sub3A_238 : i32
        %select_n3A_240 = arith.select %and3A_237, %sub3A_239, %div3A_218 : i32
        %rem3A_241 = arith.constant 2 : i32
        %rem3A_242 = arith.remsi %select_n3A_240, %rem3A_241 : i32
        %mul3A_243 = arith.constant 16 : i32
        %mul3A_244 = arith.muli %select_n3A_214, %mul3A_243 : i32
        %dma_wait3A_245 = arith.constant 0 : i32
        %dma_wait3A_246 = arith.constant 0 : i32
        %dma_wait3A_247 = arith.constant 0 : i32
        %dma_wait3A_248 = tpu.memref_slice %arg6[%rem3A_242, %dma_wait3A_245, %dma_wait3A_246, %dma_wait3A_247] : memref<2x2x16x128xi32, #tpu.memory_space<vmem>> -> memref<1x2x16x128xi32, #tpu.memory_space<vmem>>
        %dma_wait3A_249 = tpu.memref_squeeze %dma_wait3A_248 : memref<1x2x16x128xi32, #tpu.memory_space<vmem>> -> memref<2x16x128xi32, #tpu.memory_space<vmem>>
        %dma_wait3A_250 = arith.constant 0 : i32
        %dma_wait3A_251 = arith.constant 0 : i32
        %dma_wait3A_252 = tpu.memref_slice %arg2[%arg0, %dma_wait3A_250, %arg1, %mul3A_244, %dma_wait3A_251] : memref<2x2x16x160x128xi32, #tpu.memory_space<hbm>> -> memref<1x2x1x16x128xi32, #tpu.memory_space<hbm>>
        %dma_wait3A_253 = tpu.memref_squeeze %dma_wait3A_252 : memref<1x2x1x16x128xi32, #tpu.memory_space<hbm>> -> memref<2x16x128xi32, #tpu.memory_space<hbm>>
        %dma_wait3A_254 = arith.constant 0 : i32
        %dma_wait3A_255 = arith.constant 0 : i32
        %dma_wait3A_256 = arith.constant 0 : i32
        %dma_wait3A_257 = tpu.memref_slice %arg6[%rem3A_242, %dma_wait3A_254, %dma_wait3A_255, %dma_wait3A_256] : memref<2x2x16x128xi32, #tpu.memory_space<vmem>> -> memref<1x2x16x128xi32, #tpu.memory_space<vmem>>
        %dma_wait3A_258 = tpu.memref_squeeze %dma_wait3A_257 : memref<1x2x16x128xi32, #tpu.memory_space<vmem>> -> memref<2x16x128xi32, #tpu.memory_space<vmem>>
        %dma_wait3A_259 = arith.constant 0 : i32
        %dma_wait3A_260 = arith.constant 0 : i32
        %dma_wait3A_261 = tpu.memref_slice %arg2[%arg0, %dma_wait3A_259, %arg1, %mul3A_244, %dma_wait3A_260] : memref<2x2x16x160x128xi32, #tpu.memory_space<hbm>> -> memref<1x2x1x16x128xi32, #tpu.memory_space<hbm>>
        %dma_wait3A_262 = tpu.memref_squeeze %dma_wait3A_261 : memref<1x2x1x16x128xi32, #tpu.memory_space<hbm>> -> memref<2x16x128xi32, #tpu.memory_space<hbm>>
        tpu.wait_dma2 semaphore(%arg8 : memref<!tpu.dma_semaphore, #tpu.memory_space<semaphore_mem>>) src(%dma_wait3A_262 : memref<2x16x128xi32, #tpu.memory_space<hbm>>) dst(%dma_wait3A_258 : memref<2x16x128xi32, #tpu.memory_space<vmem>>)
      } else {
      }
      %add3A_181 = arith.constant 1 : i32
      %add3A_182 = arith.addi %scan3A_108, %add3A_181 : i32
      %lt3A_183 = arith.constant 160 : i32
      %lt3A_184 = arith.cmpi slt, %add3A_182, %lt3A_183 : i32
      %convert_element_type3A_185 = arith.extui %lt3A_184 : i1 to i32
      %cond3A_186 = arith.constant 0 : i32
      %cond3A_187 = arith.cmpi ne, %convert_element_type3A_185, %cond3A_186 : i32
      scf.if %cond3A_187 {
        %add3A_189 = arith.constant 1 : i32
        %add3A_190 = arith.addi %scan3A_108, %add3A_189 : i32
        %jit3A_191 = arith.constant 16 : i32
        %div3A_192 = arith.divsi %add3A_190, %jit3A_191 : i32
        %sign3A_193 = arith.constant 0 : i32
        %sign3A_194 = arith.cmpi sgt, %add3A_190, %sign3A_193 : i32
        %sign3A_195 = arith.extui %sign3A_194 : i1 to i32
        %sign3A_196 = arith.constant 0 : i32
        %sign3A_197 = arith.cmpi slt, %add3A_190, %sign3A_196 : i32
        %sign3A_198 = arith.extui %sign3A_197 : i1 to i32
        %sign3A_199 = arith.subi %sign3A_195, %sign3A_198 : i32
        %sign3A_200 = arith.constant 0 : i32
        %sign3A_201 = arith.cmpi sgt, %jit3A_191, %sign3A_200 : i32
        %sign3A_202 = arith.extui %sign3A_201 : i1 to i32
        %sign3A_203 = arith.constant 0 : i32
        %sign3A_204 = arith.cmpi slt, %jit3A_191, %sign3A_203 : i32
        %sign3A_205 = arith.extui %sign3A_204 : i1 to i32
        %sign3A_206 = arith.subi %sign3A_202, %sign3A_205 : i32
        %ne3A_207 = arith.cmpi ne, %sign3A_199, %sign3A_206 : i32
        %rem3A_208 = arith.remsi %add3A_190, %jit3A_191 : i32
        %ne3A_209 = arith.constant 0 : i32
        %ne3A_210 = arith.cmpi ne, %rem3A_208, %ne3A_209 : i32
        %and3A_211 = arith.andi %ne3A_207, %ne3A_210 : i1
        %sub3A_212 = arith.constant 1 : i32
        %sub3A_213 = arith.subi %div3A_192, %sub3A_212 : i32
        %select_n3A_214 = arith.select %and3A_211, %sub3A_213, %div3A_192 : i32
        %rem3A_215 = arith.constant 2 : i32
        %rem3A_216 = arith.remsi %select_n3A_214, %rem3A_215 : i32
        %add3A_217 = arith.constant 1 : i32
        %add3A_218 = arith.addi %scan3A_108, %add3A_217 : i32
        %rem3A_219 = arith.constant 16 : i32
        %rem3A_220 = arith.remsi %add3A_218, %rem3A_219 : i32
        %sub3A_221 = arith.constant 1 : i32
        %sub3A_222 = arith.subi %sub3A_221, %rem3A_132 : i32
        %dma_start3A_223 = arith.constant 0 : i32
        %dma_start3A_224 = arith.constant 0 : i32
        %dma_start3A_225 = arith.constant 0 : i32
        %dma_start3A_226 = tpu.memref_slice %arg7[%sub3A_222, %dma_start3A_224, %dma_start3A_225] : memref<2x128x128xf32, #tpu.memory_space<vmem>> -> memref<1x128x128xf32, #tpu.memory_space<vmem>>
        %dma_start3A_227 = tpu.memref_squeeze %dma_start3A_226 : memref<1x128x128xf32, #tpu.memory_space<vmem>> -> memref<128x128xf32, #tpu.memory_space<vmem>>
        %dma_start3A_228 = arith.constant 0 : i32
        %dma_start3A_229 = tpu.memref_slice %arg6[%rem3A_216, %dma_start3A_223, %rem3A_220, %dma_start3A_228] : memref<2x2x16x128xi32, #tpu.memory_space<vmem>> -> memref<1x1x1x128xi32, #tpu.memory_space<vmem>>
        %dma_start3A_230 = tpu.memref_squeeze %dma_start3A_229 : memref<1x1x1x128xi32, #tpu.memory_space<vmem>> -> memref<128xi32, #tpu.memory_space<vmem>>
        %dma_start3A_231 = arith.constant 0 : i32
        %dma_start3A_232 = arith.constant 0 : i32
        %dma_start3A_233 = tpu.memref_slice %arg3[%arg0, %dma_start3A_231, %dma_start3A_232] : memref<2x10240x128xf32, #tpu.memory_space<hbm>> -> memref<1x10240x128xf32, #tpu.memory_space<hbm>>
        %dma_start3A_234 = tpu.memref_squeeze %dma_start3A_233 : memref<1x10240x128xf32, #tpu.memory_space<hbm>> -> memref<10240x128xf32, #tpu.memory_space<hbm>>
        %dma_start3A_235 = arith.constant 0 : i32
        %dma_start3A_236 = arith.constant 0 : i32
        %dma_start3A_237 = tpu.memref_slice %dma_start3A_234[%dma_start3A_235, %dma_start3A_236] : memref<10240x128xf32, #tpu.memory_space<hbm>> -> memref<10240x128xf32, #tpu.memory_space<hbm>>
        tpu.enqueue_indirect_dma source(%dma_start3A_237 : memref<10240x128xf32, #tpu.memory_space<hbm>>) target(%dma_start3A_227 : memref<128x128xf32, #tpu.memory_space<vmem>>) offsets(%dma_start3A_230 : memref<128xi32, #tpu.memory_space<vmem>>) semaphore(%arg9 : memref<!tpu.dma_semaphore, #tpu.memory_space<semaphore_mem>>)
      } else {
      }
      %scan3A_188 = arith.constant 0 : i32
      scf.yield %scan3A_188 : i32
    }
    %scan3A_87 = arith.constant 160 : i32
    %rem3A = arith.constant 159 : i32
    %rem3A_88 = arith.constant 2 : i32
    %rem3A_89 = arith.remsi %rem3A, %rem3A_88 : i32
    %dma_wait3A_90 = arith.constant 0 : i32
    %dma_wait3A_91 = arith.constant 1 : i32
    %dma_wait3A_92 = arith.constant 0 : i32
    %dma_wait3A_93 = arith.constant 0 : i32
    %dma_wait3A_94 = arith.constant 0 : i32
    %dma_wait3A_95 = tpu.memref_slice %arg7[%rem3A_89, %dma_wait3A_93, %dma_wait3A_94] : memref<2x128x128xf32, #tpu.memory_space<vmem>> -> memref<1x128x128xf32, #tpu.memory_space<vmem>>
    %dma_wait3A_96 = tpu.memref_squeeze %dma_wait3A_95 : memref<1x128x128xf32, #tpu.memory_space<vmem>> -> memref<128x128xf32, #tpu.memory_space<vmem>>
    %dma_wait3A_97 = arith.constant 0 : i32
    %dma_wait3A_98 = tpu.memref_slice %arg6[%dma_wait3A_90, %dma_wait3A_91, %dma_wait3A_92, %dma_wait3A_97] : memref<2x2x16x128xi32, #tpu.memory_space<vmem>> -> memref<1x1x1x128xi32, #tpu.memory_space<vmem>>
    %dma_wait3A_99 = tpu.memref_squeeze %dma_wait3A_98 : memref<1x1x1x128xi32, #tpu.memory_space<vmem>> -> memref<128xi32, #tpu.memory_space<vmem>>
    %dma_wait3A_100 = arith.constant 0 : i32
    %dma_wait3A_101 = arith.constant 0 : i32
    %dma_wait3A_102 = tpu.memref_slice %arg5[%dma_wait3A_100, %dma_wait3A_101] : memref<10240x128xf32, #tpu.memory_space<vmem_shared>> -> memref<10240x128xf32, #tpu.memory_space<vmem_shared>>
    tpu.wait_indirect_dma semaphore(%arg10 : memref<!tpu.dma_semaphore, #tpu.memory_space<semaphore_mem>>) src(%dma_wait3A_96 : memref<128x128xf32, #tpu.memory_space<vmem>>) dst(%dma_wait3A_102 : memref<10240x128xf32, #tpu.memory_space<vmem_shared>>)
    %barrier3A_103 = arith.constant 0 : index
    tpu.barrier barrier_id(%barrier3A_103)
    %mul3A_104 = arith.constant 640 : i32
    %mul3A_105 = arith.muli %arg1, %mul3A_104 : i32
    %mul3A_106 = arith.constant 640 : i32
    %mul3A_107 = arith.muli %arg1, %mul3A_106 : i32
    "tpu.region"() ({
      %run_scoped3A = tpu.sem_alloc : memref<!tpu.dma_semaphore, #tpu.memory_space<semaphore_mem>>
      %dma_start3A_108 = arith.constant 0 : i32
      %dma_start3A_109 = tpu.memref_slice %arg4[%arg0, %mul3A_107, %dma_start3A_108] : memref<2x10240x128xf32, #tpu.memory_space<hbm>> -> memref<1x640x128xf32, #tpu.memory_space<hbm>>
      %dma_start3A_110 = tpu.memref_squeeze %dma_start3A_109 : memref<1x640x128xf32, #tpu.memory_space<hbm>> -> memref<640x128xf32, #tpu.memory_space<hbm>>
      %dma_start3A_111 = arith.constant 0 : i32
      %dma_start3A_112 = tpu.memref_slice %arg5[%mul3A_105, %dma_start3A_111] : memref<10240x128xf32, #tpu.memory_space<vmem_shared>> -> memref<640x128xf32, #tpu.memory_space<vmem_shared>>
      tpu.enqueue_dma source(%dma_start3A_112 : memref<640x128xf32, #tpu.memory_space<vmem_shared>>) target(%dma_start3A_110 : memref<640x128xf32, #tpu.memory_space<hbm>>) target_semaphore(%run_scoped3A : memref<!tpu.dma_semaphore, #tpu.memory_space<semaphore_mem>>)
      %dma_wait3A_113 = arith.constant 0 : i32
      %dma_wait3A_114 = tpu.memref_slice %arg4[%arg0, %mul3A_107, %dma_wait3A_113] : memref<2x10240x128xf32, #tpu.memory_space<hbm>> -> memref<1x640x128xf32, #tpu.memory_space<hbm>>
      %dma_wait3A_115 = tpu.memref_squeeze %dma_wait3A_114 : memref<1x640x128xf32, #tpu.memory_space<hbm>> -> memref<640x128xf32, #tpu.memory_space<hbm>>
      %dma_wait3A_116 = arith.constant 0 : i32
      %dma_wait3A_117 = tpu.memref_slice %arg5[%mul3A_105, %dma_wait3A_116] : memref<10240x128xf32, #tpu.memory_space<vmem_shared>> -> memref<640x128xf32, #tpu.memory_space<vmem_shared>>
      tpu.wait_dma2 semaphore(%run_scoped3A : memref<!tpu.dma_semaphore, #tpu.memory_space<semaphore_mem>>) src(%dma_wait3A_117 : memref<640x128xf32, #tpu.memory_space<vmem_shared>>) dst(%dma_wait3A_115 : memref<640x128xf32, #tpu.memory_space<hbm>>)
      tpu.yield
    }) : () -> ()
    return
  }
}

#map = affine_map<(d0, d1) -> (0, 0, 0, 0, 0)>
#map1 = affine_map<(d0, d1) -> (0, 0, 0, 0)>
#map2 = affine_map<(d0, d1) -> (0)>
#map3 = affine_map<(d0, d1) -> (0, 0)>
module attributes {stable_mosaic.version = 14 : i64} {
  func.func @_sc_deg_c_body(%arg0: i32, %arg1: i32, %arg2: memref<2x2x16x160x128xi32, #tpu.memory_space<hbm>>, %arg3: memref<2x2x16x20480xi32, #tpu.memory_space<hbm>>, %arg4: memref<10240xi32, #tpu.memory_space<hbm>>, %arg5: memref<2x163840xf32, #tpu.memory_space<hbm>>, %arg6: memref<2x10240xf32, #tpu.memory_space<hbm>>, %arg7: memref<163840xf32, #tpu.memory_space<vmem_shared>>, %arg8: memref<10240xf32, #tpu.memory_space<vmem_shared>>, %arg9: memref<10240xf32, #tpu.memory_space<vmem_shared>>, %arg10: memref<10240xf32, #tpu.memory_space<vmem>>, %arg11: memref<10240xi32, #tpu.memory_space<vmem>>, %arg12: memref<10240xf32, #tpu.memory_space<vmem>>, %arg13: memref<640xf32, #tpu.memory_space<vmem>>, %arg14: memref<640xf32, #tpu.memory_space<vmem>>, %arg15: memref<160x128xi32, #tpu.memory_space<vmem>>, %arg16: memref<20480xi32, #tpu.memory_space<vmem>>, %arg17: memref<20480xi32, #tpu.memory_space<vmem>>, %arg18: memref<128xi32, #tpu.memory_space<vmem>>, %arg19: memref<128xf32, #tpu.memory_space<vmem>>, %arg20: memref<128xi32, #tpu.memory_space<vmem>>, %arg21: memref<128xf32, #tpu.memory_space<vmem>>, %arg22: memref<128xf32, #tpu.memory_space<vmem>>, %arg23: memref<!tpu.dma_semaphore, #tpu.memory_space<semaphore_mem>>) attributes {dimension_semantics = [#tpu.dimension_semantics<core_parallel>, #tpu.dimension_semantics<subcore_parallel>], iteration_bounds = array<i64: 2, 16>, scalar_prefetch = 0 : i64, scratch_operands = 17 : i64, tpu.core_type = #tpu.core_type<sc_vector_subcore>, window_params = [{transform_indices = #map}, {transform_indices = #map1}, {transform_indices = #map2}, {transform_indices = #map3}, {transform_indices = #map3}]} {
    %scan3A = arith.constant 0 : i32
    %scan3A_0 = arith.constant 0 : i32
    %scan3A_1 = arith.constant 640 : i32
    %scan3A_2 = arith.addi %scan3A_0, %scan3A_1 : i32
    %scan3A_3 = arith.constant 1 : i32
    %scan3A_4 = scf.for %scan3A_85 = %scan3A_0 to %scan3A_2 step %scan3A_3 iter_args(%scan3A_86 = %scan3A) -> (i32)  : i32 {
      %broadcast_in_dim3A_87 = arith.constant 0.000000e+00 : f32
      %broadcast_in_dim3A_88 = vector.broadcast %broadcast_in_dim3A_87 : f32 to vector<16xf32>
      %mul3A_89 = arith.constant 16 : i32
      %mul3A_90 = arith.muli %scan3A_85, %mul3A_89 : i32
      %swap3A_91 = arith.index_cast %mul3A_90 : i32 to index
      %swap3A_92 = tpu.vector_load %arg10[%swap3A_91] {strides = array<i32>} : memref<10240xf32, #tpu.memory_space<vmem>>, vector<16xf32>,
      tpu.vector_store %arg10[%swap3A_91], %broadcast_in_dim3A_88 {strides = array<i32>} : memref<10240xf32, #tpu.memory_space<vmem>>, vector<16xf32>,
      %scan3A_93 = arith.constant 0 : i32
      scf.yield %scan3A_93 : i32
    }
    %scan3A_5 = arith.constant 640 : i32
    %broadcast_in_dim3A = arith.constant 1.000000e+00 : f32
    %broadcast_in_dim3A_6 = vector.broadcast %broadcast_in_dim3A : f32 to vector<16xf32>
    %swap3A = arith.constant 0 : index
    %swap3A_7 = tpu.vector_load %arg22[%swap3A] {strides = array<i32>} : memref<128xf32, #tpu.memory_space<vmem>>, vector<16xf32>,
    tpu.vector_store %arg22[%swap3A], %broadcast_in_dim3A_6 {strides = array<i32>} : memref<128xf32, #tpu.memory_space<vmem>>, vector<16xf32>,
    %broadcast_in_dim3A_8 = arith.constant 1.000000e+00 : f32
    %broadcast_in_dim3A_9 = vector.broadcast %broadcast_in_dim3A_8 : f32 to vector<16xf32>
    %swap3A_10 = arith.constant 16 : index
    %swap3A_11 = tpu.vector_load %arg22[%swap3A_10] {strides = array<i32>} : memref<128xf32, #tpu.memory_space<vmem>>, vector<16xf32>,
    tpu.vector_store %arg22[%swap3A_10], %broadcast_in_dim3A_9 {strides = array<i32>} : memref<128xf32, #tpu.memory_space<vmem>>, vector<16xf32>,
    %broadcast_in_dim3A_12 = arith.constant 1.000000e+00 : f32
    %broadcast_in_dim3A_13 = vector.broadcast %broadcast_in_dim3A_12 : f32 to vector<16xf32>
    %swap3A_14 = arith.constant 32 : index
    %swap3A_15 = tpu.vector_load %arg22[%swap3A_14] {strides = array<i32>} : memref<128xf32, #tpu.memory_space<vmem>>, vector<16xf32>,
    tpu.vector_store %arg22[%swap3A_14], %broadcast_in_dim3A_13 {strides = array<i32>} : memref<128xf32, #tpu.memory_space<vmem>>, vector<16xf32>,
    %broadcast_in_dim3A_16 = arith.constant 1.000000e+00 : f32
    %broadcast_in_dim3A_17 = vector.broadcast %broadcast_in_dim3A_16 : f32 to vector<16xf32>
    %swap3A_18 = arith.constant 48 : index
    %swap3A_19 = tpu.vector_load %arg22[%swap3A_18] {strides = array<i32>} : memref<128xf32, #tpu.memory_space<vmem>>, vector<16xf32>,
    tpu.vector_store %arg22[%swap3A_18], %broadcast_in_dim3A_17 {strides = array<i32>} : memref<128xf32, #tpu.memory_space<vmem>>, vector<16xf32>,
    %broadcast_in_dim3A_20 = arith.constant 1.000000e+00 : f32
    %broadcast_in_dim3A_21 = vector.broadcast %broadcast_in_dim3A_20 : f32 to vector<16xf32>
    %swap3A_22 = arith.constant 64 : index
    %swap3A_23 = tpu.vector_load %arg22[%swap3A_22] {strides = array<i32>} : memref<128xf32, #tpu.memory_space<vmem>>, vector<16xf32>,
    tpu.vector_store %arg22[%swap3A_22], %broadcast_in_dim3A_21 {strides = array<i32>} : memref<128xf32, #tpu.memory_space<vmem>>, vector<16xf32>,
    %broadcast_in_dim3A_24 = arith.constant 1.000000e+00 : f32
    %broadcast_in_dim3A_25 = vector.broadcast %broadcast_in_dim3A_24 : f32 to vector<16xf32>
    %swap3A_26 = arith.constant 80 : index
    %swap3A_27 = tpu.vector_load %arg22[%swap3A_26] {strides = array<i32>} : memref<128xf32, #tpu.memory_space<vmem>>, vector<16xf32>,
    tpu.vector_store %arg22[%swap3A_26], %broadcast_in_dim3A_25 {strides = array<i32>} : memref<128xf32, #tpu.memory_space<vmem>>, vector<16xf32>,
    %broadcast_in_dim3A_28 = arith.constant 1.000000e+00 : f32
    %broadcast_in_dim3A_29 = vector.broadcast %broadcast_in_dim3A_28 : f32 to vector<16xf32>
    %swap3A_30 = arith.constant 96 : index
    %swap3A_31 = tpu.vector_load %arg22[%swap3A_30] {strides = array<i32>} : memref<128xf32, #tpu.memory_space<vmem>>, vector<16xf32>,
    tpu.vector_store %arg22[%swap3A_30], %broadcast_in_dim3A_29 {strides = array<i32>} : memref<128xf32, #tpu.memory_space<vmem>>, vector<16xf32>,
    %broadcast_in_dim3A_32 = arith.constant 1.000000e+00 : f32
    %broadcast_in_dim3A_33 = vector.broadcast %broadcast_in_dim3A_32 : f32 to vector<16xf32>
    %swap3A_34 = arith.constant 112 : index
    %swap3A_35 = tpu.vector_load %arg22[%swap3A_34] {strides = array<i32>} : memref<128xf32, #tpu.memory_space<vmem>>, vector<16xf32>,
    tpu.vector_store %arg22[%swap3A_34], %broadcast_in_dim3A_33 {strides = array<i32>} : memref<128xf32, #tpu.memory_space<vmem>>, vector<16xf32>,
    %mul3A = arith.constant 10240 : i32
    %mul3A_36 = arith.muli %arg1, %mul3A : i32
    "tpu.region"() ({
      %run_scoped3A_85 = tpu.sem_alloc : memref<!tpu.dma_semaphore, #tpu.memory_space<semaphore_mem>>
      %dma_start3A = tpu.memref_slice %arg7[%mul3A_36] : memref<163840xf32, #tpu.memory_space<vmem_shared>> -> memref<10240xf32, #tpu.memory_space<vmem_shared>>
      %dma_start3A_86 = tpu.memref_slice %arg7[%mul3A_36] : memref<163840xf32, #tpu.memory_space<vmem_shared>> -> memref<10240xf32, #tpu.memory_space<vmem_shared>>
      tpu.enqueue_dma source(%arg10 : memref<10240xf32, #tpu.memory_space<vmem>>) target(%dma_start3A_86 : memref<10240xf32, #tpu.memory_space<vmem_shared>>) target_semaphore(%run_scoped3A_85 : memref<!tpu.dma_semaphore, #tpu.memory_space<semaphore_mem>>)
      %dma_wait3A_87 = tpu.memref_slice %arg7[%mul3A_36] : memref<163840xf32, #tpu.memory_space<vmem_shared>> -> memref<10240xf32, #tpu.memory_space<vmem_shared>>
      %dma_wait3A_88 = tpu.memref_slice %arg7[%mul3A_36] : memref<163840xf32, #tpu.memory_space<vmem_shared>> -> memref<10240xf32, #tpu.memory_space<vmem_shared>>
      tpu.wait_dma2 semaphore(%run_scoped3A_85 : memref<!tpu.dma_semaphore, #tpu.memory_space<semaphore_mem>>) src(%arg10 : memref<10240xf32, #tpu.memory_space<vmem>>) dst(%dma_wait3A_88 : memref<10240xf32, #tpu.memory_space<vmem_shared>>)
      tpu.yield
    }) : () -> ()
    %mul3A_37 = arith.constant 640 : i32
    %mul3A_38 = arith.muli %arg1, %mul3A_37 : i32
    "tpu.region"() ({
      %run_scoped3A_85 = tpu.sem_alloc : memref<!tpu.dma_semaphore, #tpu.memory_space<semaphore_mem>>
      %dma_start3A = arith.constant 0 : i32
      %dma_start3A_86 = tpu.memref_slice %arg10[%dma_start3A] : memref<10240xf32, #tpu.memory_space<vmem>> -> memref<640xf32, #tpu.memory_space<vmem>>
      %dma_start3A_87 = tpu.memref_slice %arg8[%mul3A_38] : memref<10240xf32, #tpu.memory_space<vmem_shared>> -> memref<640xf32, #tpu.memory_space<vmem_shared>>
      %dma_start3A_88 = tpu.memref_slice %arg8[%mul3A_38] : memref<10240xf32, #tpu.memory_space<vmem_shared>> -> memref<640xf32, #tpu.memory_space<vmem_shared>>
      %dma_start3A_89 = arith.constant 0 : i32
      %dma_start3A_90 = tpu.memref_slice %arg10[%dma_start3A_89] : memref<10240xf32, #tpu.memory_space<vmem>> -> memref<640xf32, #tpu.memory_space<vmem>>
      tpu.enqueue_dma source(%dma_start3A_90 : memref<640xf32, #tpu.memory_space<vmem>>) target(%dma_start3A_88 : memref<640xf32, #tpu.memory_space<vmem_shared>>) target_semaphore(%run_scoped3A_85 : memref<!tpu.dma_semaphore, #tpu.memory_space<semaphore_mem>>)
      %dma_wait3A_91 = arith.constant 0 : i32
      %dma_wait3A_92 = tpu.memref_slice %arg10[%dma_wait3A_91] : memref<10240xf32, #tpu.memory_space<vmem>> -> memref<640xf32, #tpu.memory_space<vmem>>
      %dma_wait3A_93 = tpu.memref_slice %arg8[%mul3A_38] : memref<10240xf32, #tpu.memory_space<vmem_shared>> -> memref<640xf32, #tpu.memory_space<vmem_shared>>
      %dma_wait3A_94 = tpu.memref_slice %arg8[%mul3A_38] : memref<10240xf32, #tpu.memory_space<vmem_shared>> -> memref<640xf32, #tpu.memory_space<vmem_shared>>
      %dma_wait3A_95 = arith.constant 0 : i32
      %dma_wait3A_96 = tpu.memref_slice %arg10[%dma_wait3A_95] : memref<10240xf32, #tpu.memory_space<vmem>> -> memref<640xf32, #tpu.memory_space<vmem>>
      tpu.wait_dma2 semaphore(%run_scoped3A_85 : memref<!tpu.dma_semaphore, #tpu.memory_space<semaphore_mem>>) src(%dma_wait3A_96 : memref<640xf32, #tpu.memory_space<vmem>>) dst(%dma_wait3A_94 : memref<640xf32, #tpu.memory_space<vmem_shared>>)
      tpu.yield
    }) : () -> ()
    %run_scoped3A = arith.constant 1 : i32
    "tpu.region"() ({
      %run_scoped3A_85 = tpu.sem_alloc : memref<!tpu.dma_semaphore, #tpu.memory_space<semaphore_mem>>
      %dma_start3A = arith.constant 0 : i32
      %dma_start3A_86 = arith.constant 0 : i32
      %dma_start3A_87 = tpu.memref_slice %arg2[%arg0, %run_scoped3A, %arg1, %dma_start3A, %dma_start3A_86] : memref<2x2x16x160x128xi32, #tpu.memory_space<hbm>> -> memref<1x1x1x160x128xi32, #tpu.memory_space<hbm>>
      %dma_start3A_88 = tpu.memref_squeeze %dma_start3A_87 : memref<1x1x1x160x128xi32, #tpu.memory_space<hbm>> -> memref<160x128xi32, #tpu.memory_space<hbm>>
      %dma_start3A_89 = arith.constant 0 : i32
      %dma_start3A_90 = arith.constant 0 : i32
      %dma_start3A_91 = tpu.memref_slice %arg2[%arg0, %run_scoped3A, %arg1, %dma_start3A_89, %dma_start3A_90] : memref<2x2x16x160x128xi32, #tpu.memory_space<hbm>> -> memref<1x1x1x160x128xi32, #tpu.memory_space<hbm>>
      %dma_start3A_92 = tpu.memref_squeeze %dma_start3A_91 : memref<1x1x1x160x128xi32, #tpu.memory_space<hbm>> -> memref<160x128xi32, #tpu.memory_space<hbm>>
      tpu.enqueue_dma source(%dma_start3A_92 : memref<160x128xi32, #tpu.memory_space<hbm>>) target(%arg15 : memref<160x128xi32, #tpu.memory_space<vmem>>) target_semaphore(%run_scoped3A_85 : memref<!tpu.dma_semaphore, #tpu.memory_space<semaphore_mem>>)
      %dma_wait3A_93 = arith.constant 0 : i32
      %dma_wait3A_94 = arith.constant 0 : i32
      %dma_wait3A_95 = tpu.memref_slice %arg2[%arg0, %run_scoped3A, %arg1, %dma_wait3A_93, %dma_wait3A_94] : memref<2x2x16x160x128xi32, #tpu.memory_space<hbm>> -> memref<1x1x1x160x128xi32, #tpu.memory_space<hbm>>
      %dma_wait3A_96 = tpu.memref_squeeze %dma_wait3A_95 : memref<1x1x1x160x128xi32, #tpu.memory_space<hbm>> -> memref<160x128xi32, #tpu.memory_space<hbm>>
      %dma_wait3A_97 = arith.constant 0 : i32
      %dma_wait3A_98 = arith.constant 0 : i32
      %dma_wait3A_99 = tpu.memref_slice %arg2[%arg0, %run_scoped3A, %arg1, %dma_wait3A_97, %dma_wait3A_98] : memref<2x2x16x160x128xi32, #tpu.memory_space<hbm>> -> memref<1x1x1x160x128xi32, #tpu.memory_space<hbm>>
      %dma_wait3A_100 = tpu.memref_squeeze %dma_wait3A_99 : memref<1x1x1x160x128xi32, #tpu.memory_space<hbm>> -> memref<160x128xi32, #tpu.memory_space<hbm>>
      tpu.wait_dma2 semaphore(%run_scoped3A_85 : memref<!tpu.dma_semaphore, #tpu.memory_space<semaphore_mem>>) src(%dma_wait3A_100 : memref<160x128xi32, #tpu.memory_space<hbm>>) dst(%arg15 : memref<160x128xi32, #tpu.memory_space<vmem>>)
      tpu.yield
    }) : () -> ()
    %run_scoped3A_39 = arith.constant 0 : i32
    "tpu.region"() ({
      %run_scoped3A_85 = tpu.sem_alloc : memref<!tpu.dma_semaphore, #tpu.memory_space<semaphore_mem>>
      %dma_start3A = arith.constant 0 : i32
      %dma_start3A_86 = tpu.memref_slice %arg3[%arg0, %run_scoped3A_39, %arg1, %dma_start3A] : memref<2x2x16x20480xi32, #tpu.memory_space<hbm>> -> memref<1x1x1x20480xi32, #tpu.memory_space<hbm>>
      %dma_start3A_87 = tpu.memref_squeeze %dma_start3A_86 : memref<1x1x1x20480xi32, #tpu.memory_space<hbm>> -> memref<20480xi32, #tpu.memory_space<hbm>>
      %dma_start3A_88 = arith.constant 0 : i32
      %dma_start3A_89 = tpu.memref_slice %arg3[%arg0, %run_scoped3A_39, %arg1, %dma_start3A_88] : memref<2x2x16x20480xi32, #tpu.memory_space<hbm>> -> memref<1x1x1x20480xi32, #tpu.memory_space<hbm>>
      %dma_start3A_90 = tpu.memref_squeeze %dma_start3A_89 : memref<1x1x1x20480xi32, #tpu.memory_space<hbm>> -> memref<20480xi32, #tpu.memory_space<hbm>>
      tpu.enqueue_dma source(%dma_start3A_90 : memref<20480xi32, #tpu.memory_space<hbm>>) target(%arg16 : memref<20480xi32, #tpu.memory_space<vmem>>) target_semaphore(%run_scoped3A_85 : memref<!tpu.dma_semaphore, #tpu.memory_space<semaphore_mem>>)
      %dma_wait3A_91 = arith.constant 0 : i32
      %dma_wait3A_92 = tpu.memref_slice %arg3[%arg0, %run_scoped3A_39, %arg1, %dma_wait3A_91] : memref<2x2x16x20480xi32, #tpu.memory_space<hbm>> -> memref<1x1x1x20480xi32, #tpu.memory_space<hbm>>
      %dma_wait3A_93 = tpu.memref_squeeze %dma_wait3A_92 : memref<1x1x1x20480xi32, #tpu.memory_space<hbm>> -> memref<20480xi32, #tpu.memory_space<hbm>>
      %dma_wait3A_94 = arith.constant 0 : i32
      %dma_wait3A_95 = tpu.memref_slice %arg3[%arg0, %run_scoped3A_39, %arg1, %dma_wait3A_94] : memref<2x2x16x20480xi32, #tpu.memory_space<hbm>> -> memref<1x1x1x20480xi32, #tpu.memory_space<hbm>>
      %dma_wait3A_96 = tpu.memref_squeeze %dma_wait3A_95 : memref<1x1x1x20480xi32, #tpu.memory_space<hbm>> -> memref<20480xi32, #tpu.memory_space<hbm>>
      tpu.wait_dma2 semaphore(%run_scoped3A_85 : memref<!tpu.dma_semaphore, #tpu.memory_space<semaphore_mem>>) src(%dma_wait3A_96 : memref<20480xi32, #tpu.memory_space<hbm>>) dst(%arg16 : memref<20480xi32, #tpu.memory_space<vmem>>)
      tpu.yield
    }) : () -> ()
    %run_scoped3A_40 = arith.constant 1 : i32
    "tpu.region"() ({
      %run_scoped3A_85 = tpu.sem_alloc : memref<!tpu.dma_semaphore, #tpu.memory_space<semaphore_mem>>
      %dma_start3A = arith.constant 0 : i32
      %dma_start3A_86 = tpu.memref_slice %arg3[%arg0, %run_scoped3A_40, %arg1, %dma_start3A] : memref<2x2x16x20480xi32, #tpu.memory_space<hbm>> -> memref<1x1x1x20480xi32, #tpu.memory_space<hbm>>
      %dma_start3A_87 = tpu.memref_squeeze %dma_start3A_86 : memref<1x1x1x20480xi32, #tpu.memory_space<hbm>> -> memref<20480xi32, #tpu.memory_space<hbm>>
      %dma_start3A_88 = arith.constant 0 : i32
      %dma_start3A_89 = tpu.memref_slice %arg3[%arg0, %run_scoped3A_40, %arg1, %dma_start3A_88] : memref<2x2x16x20480xi32, #tpu.memory_space<hbm>> -> memref<1x1x1x20480xi32, #tpu.memory_space<hbm>>
      %dma_start3A_90 = tpu.memref_squeeze %dma_start3A_89 : memref<1x1x1x20480xi32, #tpu.memory_space<hbm>> -> memref<20480xi32, #tpu.memory_space<hbm>>
      tpu.enqueue_dma source(%dma_start3A_90 : memref<20480xi32, #tpu.memory_space<hbm>>) target(%arg17 : memref<20480xi32, #tpu.memory_space<vmem>>) target_semaphore(%run_scoped3A_85 : memref<!tpu.dma_semaphore, #tpu.memory_space<semaphore_mem>>)
      %dma_wait3A_91 = arith.constant 0 : i32
      %dma_wait3A_92 = tpu.memref_slice %arg3[%arg0, %run_scoped3A_40, %arg1, %dma_wait3A_91] : memref<2x2x16x20480xi32, #tpu.memory_space<hbm>> -> memref<1x1x1x20480xi32, #tpu.memory_space<hbm>>
      %dma_wait3A_93 = tpu.memref_squeeze %dma_wait3A_92 : memref<1x1x1x20480xi32, #tpu.memory_space<hbm>> -> memref<20480xi32, #tpu.memory_space<hbm>>
      %dma_wait3A_94 = arith.constant 0 : i32
      %dma_wait3A_95 = tpu.memref_slice %arg3[%arg0, %run_scoped3A_40, %arg1, %dma_wait3A_94] : memref<2x2x16x20480xi32, #tpu.memory_space<hbm>> -> memref<1x1x1x20480xi32, #tpu.memory_space<hbm>>
      %dma_wait3A_96 = tpu.memref_squeeze %dma_wait3A_95 : memref<1x1x1x20480xi32, #tpu.memory_space<hbm>> -> memref<20480xi32, #tpu.memory_space<hbm>>
      tpu.wait_dma2 semaphore(%run_scoped3A_85 : memref<!tpu.dma_semaphore, #tpu.memory_space<semaphore_mem>>) src(%dma_wait3A_96 : memref<20480xi32, #tpu.memory_space<hbm>>) dst(%arg17 : memref<20480xi32, #tpu.memory_space<vmem>>)
      tpu.yield
    }) : () -> ()
    "tpu.region"() ({
      %run_scoped3A_85 = tpu.sem_alloc : memref<!tpu.dma_semaphore, #tpu.memory_space<semaphore_mem>>
      tpu.enqueue_dma source(%arg4 : memref<10240xi32, #tpu.memory_space<hbm>>) target(%arg11 : memref<10240xi32, #tpu.memory_space<vmem>>) target_semaphore(%run_scoped3A_85 : memref<!tpu.dma_semaphore, #tpu.memory_space<semaphore_mem>>)
      tpu.wait_dma2 semaphore(%run_scoped3A_85 : memref<!tpu.dma_semaphore, #tpu.memory_space<semaphore_mem>>) src(%arg4 : memref<10240xi32, #tpu.memory_space<hbm>>) dst(%arg11 : memref<10240xi32, #tpu.memory_space<vmem>>)
      tpu.yield
    }) : () -> ()
    %barrier3A = arith.constant 0 : index
    tpu.barrier barrier_id(%barrier3A)
    %scan3A_41 = arith.constant 0 : i32
    %scan3A_42 = arith.constant 0 : i32
    %scan3A_43 = arith.constant 160 : i32
    %scan3A_44 = arith.addi %scan3A_42, %scan3A_43 : i32
    %scan3A_45 = arith.constant 1 : i32
    %scan3A_46 = scf.for %scan3A_85 = %scan3A_42 to %scan3A_44 step %scan3A_45 iter_args(%scan3A_86 = %scan3A_41) -> (i32)  : i32 {
      %ge3A = arith.constant 8 : i32
      %ge3A_87 = arith.cmpi sge, %scan3A_85, %ge3A : i32
      %convert_element_type3A = arith.extui %ge3A_87 : i1 to i32
      %cond3A = arith.constant 0 : i32
      %cond3A_88 = arith.cmpi ne, %convert_element_type3A, %cond3A : i32
      scf.if %cond3A_88 {
        %dma_wait3A_94 = arith.constant 0 : i32
        %dma_wait3A_95 = tpu.memref_slice %arg15[%scan3A_85, %dma_wait3A_94] : memref<160x128xi32, #tpu.memory_space<vmem>> -> memref<1x128xi32, #tpu.memory_space<vmem>>
        %dma_wait3A_96 = tpu.memref_squeeze %dma_wait3A_95 : memref<1x128xi32, #tpu.memory_space<vmem>> -> memref<128xi32, #tpu.memory_space<vmem>>
        %dma_wait3A_97 = arith.constant 0 : i32
        %dma_wait3A_98 = tpu.memref_slice %arg8[%dma_wait3A_97] : memref<10240xf32, #tpu.memory_space<vmem_shared>> -> memref<10240xf32, #tpu.memory_space<vmem_shared>>
        tpu.wait_indirect_dma semaphore(%arg23 : memref<!tpu.dma_semaphore, #tpu.memory_space<semaphore_mem>>) src(%arg22 : memref<128xf32, #tpu.memory_space<vmem>>) dst(%dma_wait3A_98 : memref<10240xf32, #tpu.memory_space<vmem_shared>>)
      } else {
      }
      %dma_start3A = arith.constant 0 : i32
      %dma_start3A_89 = tpu.memref_slice %arg15[%scan3A_85, %dma_start3A] : memref<160x128xi32, #tpu.memory_space<vmem>> -> memref<1x128xi32, #tpu.memory_space<vmem>>
      %dma_start3A_90 = tpu.memref_squeeze %dma_start3A_89 : memref<1x128xi32, #tpu.memory_space<vmem>> -> memref<128xi32, #tpu.memory_space<vmem>>
      %dma_start3A_91 = arith.constant 0 : i32
      %dma_start3A_92 = tpu.memref_slice %arg8[%dma_start3A_91] : memref<10240xf32, #tpu.memory_space<vmem_shared>> -> memref<10240xf32, #tpu.memory_space<vmem_shared>>
      tpu.enqueue_indirect_dma source(%arg22 : memref<128xf32, #tpu.memory_space<vmem>>) target(%dma_start3A_92 : memref<10240xf32, #tpu.memory_space<vmem_shared>>) offsets(%dma_start3A_90 : memref<128xi32, #tpu.memory_space<vmem>>) semaphore(%arg23 : memref<!tpu.dma_semaphore, #tpu.memory_space<semaphore_mem>>) {add = true}
      %scan3A_93 = arith.constant 0 : i32
      scf.yield %scan3A_93 : i32
    }
    %scan3A_47 = arith.constant 160 : i32
    %scan3A_48 = arith.constant 0 : i32
    %scan3A_49 = arith.constant 0 : i32
    %scan3A_50 = arith.constant 8 : i32
    %scan3A_51 = arith.addi %scan3A_49, %scan3A_50 : i32
    %scan3A_52 = arith.constant 1 : i32
    %scan3A_53 = scf.for %scan3A_85 = %scan3A_49 to %scan3A_51 step %scan3A_52 iter_args(%scan3A_86 = %scan3A_48) -> (i32)  : i32 {
      %dma_wait3A_87 = arith.constant 0 : i32
      %dma_wait3A_88 = tpu.memref_slice %arg15[%scan3A_85, %dma_wait3A_87] : memref<160x128xi32, #tpu.memory_space<vmem>> -> memref<1x128xi32, #tpu.memory_space<vmem>>
      %dma_wait3A_89 = tpu.memref_squeeze %dma_wait3A_88 : memref<1x128xi32, #tpu.memory_space<vmem>> -> memref<128xi32, #tpu.memory_space<vmem>>
      %dma_wait3A_90 = arith.constant 0 : i32
      %dma_wait3A_91 = tpu.memref_slice %arg8[%dma_wait3A_90] : memref<10240xf32, #tpu.memory_space<vmem_shared>> -> memref<10240xf32, #tpu.memory_space<vmem_shared>>
      tpu.wait_indirect_dma semaphore(%arg23 : memref<!tpu.dma_semaphore, #tpu.memory_space<semaphore_mem>>) src(%arg22 : memref<128xf32, #tpu.memory_space<vmem>>) dst(%dma_wait3A_91 : memref<10240xf32, #tpu.memory_space<vmem_shared>>)
      %scan3A_92 = arith.constant 0 : i32
      scf.yield %scan3A_92 : i32
    }
    %scan3A_54 = arith.constant 8 : i32
    %barrier3A_55 = arith.constant 0 : index
    tpu.barrier barrier_id(%barrier3A_55)
    %mul3A_56 = arith.constant 640 : i32
    %mul3A_57 = arith.muli %arg1, %mul3A_56 : i32
    "tpu.region"() ({
      %run_scoped3A_85 = tpu.sem_alloc : memref<!tpu.dma_semaphore, #tpu.memory_space<semaphore_mem>>
      %dma_start3A = tpu.memref_slice %arg8[%mul3A_57] : memref<10240xf32, #tpu.memory_space<vmem_shared>> -> memref<640xf32, #tpu.memory_space<vmem_shared>>
      %dma_start3A_86 = tpu.memref_slice %arg8[%mul3A_57] : memref<10240xf32, #tpu.memory_space<vmem_shared>> -> memref<640xf32, #tpu.memory_space<vmem_shared>>
      tpu.enqueue_dma source(%dma_start3A_86 : memref<640xf32, #tpu.memory_space<vmem_shared>>) target(%arg13 : memref<640xf32, #tpu.memory_space<vmem>>) target_semaphore(%run_scoped3A_85 : memref<!tpu.dma_semaphore, #tpu.memory_space<semaphore_mem>>)
      %dma_wait3A_87 = tpu.memref_slice %arg8[%mul3A_57] : memref<10240xf32, #tpu.memory_space<vmem_shared>> -> memref<640xf32, #tpu.memory_space<vmem_shared>>
      %dma_wait3A_88 = tpu.memref_slice %arg8[%mul3A_57] : memref<10240xf32, #tpu.memory_space<vmem_shared>> -> memref<640xf32, #tpu.memory_space<vmem_shared>>
      tpu.wait_dma2 semaphore(%run_scoped3A_85 : memref<!tpu.dma_semaphore, #tpu.memory_space<semaphore_mem>>) src(%dma_wait3A_88 : memref<640xf32, #tpu.memory_space<vmem_shared>>) dst(%arg13 : memref<640xf32, #tpu.memory_space<vmem>>)
      tpu.yield
    }) : () -> ()
    %scan3A_58 = arith.constant 0 : i32
    %scan3A_59 = arith.constant 0 : i32
    %scan3A_60 = arith.constant 40 : i32
    %scan3A_61 = arith.addi %scan3A_59, %scan3A_60 : i32
    %scan3A_62 = arith.constant 1 : i32
    %scan3A_63 = scf.for %scan3A_85 = %scan3A_59 to %scan3A_61 step %scan3A_62 iter_args(%scan3A_86 = %scan3A_58) -> (i32)  : i32 {
      %mul3A_87 = arith.constant 16 : i32
      %mul3A_88 = arith.muli %scan3A_85, %mul3A_87 : i32
      %get3A = arith.index_cast %mul3A_88 : i32 to index
      %get3A_89 = tpu.vector_load %arg13[%get3A] {strides = array<i32>} : memref<640xf32, #tpu.memory_space<vmem>>, vector<16xf32>,
      %add3A = arith.constant 1.000000e+00 : f32
      %add3A_90 = vector.broadcast %add3A : f32 to vector<16xf32>
      %add3A_91 = arith.addf %get3A_89, %add3A_90 : vector<16xf32>
      %bitcast_convert_type3A = tpu.bitcast %add3A_91 : vector<16xf32> -> vector<16xi32>
      %shift_right_logical3A = arith.constant 1 : i32
      %shift_right_logical3A_92 = vector.broadcast %shift_right_logical3A : i32 to vector<16xi32>
      %shift_right_logical3A_93 = arith.shrui %bitcast_convert_type3A, %shift_right_logical3A_92 : vector<16xi32>
      %sub3A = arith.constant 1597463007 : i32
      %sub3A_94 = vector.broadcast %sub3A : i32 to vector<16xi32>
      %sub3A_95 = arith.subi %sub3A_94, %shift_right_logical3A_93 : vector<16xi32>
      %bitcast_convert_type3A_96 = tpu.bitcast %sub3A_95 : vector<16xi32> -> vector<16xf32>
      %mul3A_97 = arith.constant 5.000000e-01 : f32
      %mul3A_98 = vector.broadcast %mul3A_97 : f32 to vector<16xf32>
      %mul3A_99 = arith.mulf %mul3A_98, %add3A_91 : vector<16xf32>
      %mul3A_100 = arith.mulf %mul3A_99, %bitcast_convert_type3A_96 : vector<16xf32>
      %mul3A_101 = arith.mulf %mul3A_100, %bitcast_convert_type3A_96 : vector<16xf32>
      %sub3A_102 = arith.constant 1.500000e+00 : f32
      %sub3A_103 = vector.broadcast %sub3A_102 : f32 to vector<16xf32>
      %sub3A_104 = arith.subf %sub3A_103, %mul3A_101 : vector<16xf32>
      %mul3A_105 = arith.mulf %bitcast_convert_type3A_96, %sub3A_104 : vector<16xf32>
      %mul3A_106 = arith.constant 5.000000e-01 : f32
      %mul3A_107 = vector.broadcast %mul3A_106 : f32 to vector<16xf32>
      %mul3A_108 = arith.mulf %mul3A_107, %add3A_91 : vector<16xf32>
      %mul3A_109 = arith.mulf %mul3A_108, %mul3A_105 : vector<16xf32>
      %mul3A_110 = arith.mulf %mul3A_109, %mul3A_105 : vector<16xf32>
      %sub3A_111 = arith.constant 1.500000e+00 : f32
      %sub3A_112 = vector.broadcast %sub3A_111 : f32 to vector<16xf32>
      %sub3A_113 = arith.subf %sub3A_112, %mul3A_110 : vector<16xf32>
      %mul3A_114 = arith.mulf %mul3A_105, %sub3A_113 : vector<16xf32>
      %mul3A_115 = arith.constant 5.000000e-01 : f32
      %mul3A_116 = vector.broadcast %mul3A_115 : f32 to vector<16xf32>
      %mul3A_117 = arith.mulf %mul3A_116, %add3A_91 : vector<16xf32>
      %mul3A_118 = arith.mulf %mul3A_117, %mul3A_114 : vector<16xf32>
      %mul3A_119 = arith.mulf %mul3A_118, %mul3A_114 : vector<16xf32>
      %sub3A_120 = arith.constant 1.500000e+00 : f32
      %sub3A_121 = vector.broadcast %sub3A_120 : f32 to vector<16xf32>
      %sub3A_122 = arith.subf %sub3A_121, %mul3A_119 : vector<16xf32>
      %mul3A_123 = arith.mulf %mul3A_114, %sub3A_122 : vector<16xf32>
      %mul3A_124 = arith.constant 16 : i32
      %mul3A_125 = arith.muli %scan3A_85, %mul3A_124 : i32
      %swap3A_126 = arith.index_cast %mul3A_125 : i32 to index
      %swap3A_127 = tpu.vector_load %arg14[%swap3A_126] {strides = array<i32>} : memref<640xf32, #tpu.memory_space<vmem>>, vector<16xf32>,
      tpu.vector_store %arg14[%swap3A_126], %mul3A_123 {strides = array<i32>} : memref<640xf32, #tpu.memory_space<vmem>>, vector<16xf32>,
      %scan3A_128 = arith.constant 0 : i32
      scf.yield %scan3A_128 : i32
    }
    %scan3A_64 = arith.constant 40 : i32
    %mul3A_65 = arith.constant 640 : i32
    %mul3A_66 = arith.muli %arg1, %mul3A_65 : i32
    "tpu.region"() ({
      %run_scoped3A_85 = tpu.sem_alloc : memref<!tpu.dma_semaphore, #tpu.memory_space<semaphore_mem>>
      %dma_start3A = tpu.memref_slice %arg9[%mul3A_66] : memref<10240xf32, #tpu.memory_space<vmem_shared>> -> memref<640xf32, #tpu.memory_space<vmem_shared>>
      %dma_start3A_86 = tpu.memref_slice %arg9[%mul3A_66] : memref<10240xf32, #tpu.memory_space<vmem_shared>> -> memref<640xf32, #tpu.memory_space<vmem_shared>>
      tpu.enqueue_dma source(%arg14 : memref<640xf32, #tpu.memory_space<vmem>>) target(%dma_start3A_86 : memref<640xf32, #tpu.memory_space<vmem_shared>>) target_semaphore(%run_scoped3A_85 : memref<!tpu.dma_semaphore, #tpu.memory_space<semaphore_mem>>)
      %dma_wait3A_87 = tpu.memref_slice %arg9[%mul3A_66] : memref<10240xf32, #tpu.memory_space<vmem_shared>> -> memref<640xf32, #tpu.memory_space<vmem_shared>>
      %dma_wait3A_88 = tpu.memref_slice %arg9[%mul3A_66] : memref<10240xf32, #tpu.memory_space<vmem_shared>> -> memref<640xf32, #tpu.memory_space<vmem_shared>>
      tpu.wait_dma2 semaphore(%run_scoped3A_85 : memref<!tpu.dma_semaphore, #tpu.memory_space<semaphore_mem>>) src(%arg14 : memref<640xf32, #tpu.memory_space<vmem>>) dst(%dma_wait3A_88 : memref<640xf32, #tpu.memory_space<vmem_shared>>)
      tpu.yield
    }) : () -> ()
    %mul3A_67 = arith.constant 640 : i32
    %mul3A_68 = arith.muli %arg1, %mul3A_67 : i32
    "tpu.region"() ({
      %run_scoped3A_85 = tpu.sem_alloc : memref<!tpu.dma_semaphore, #tpu.memory_space<semaphore_mem>>
      %dma_start3A = tpu.memref_slice %arg6[%arg0, %mul3A_68] : memref<2x10240xf32, #tpu.memory_space<hbm>> -> memref<1x640xf32, #tpu.memory_space<hbm>>
      %dma_start3A_86 = tpu.memref_squeeze %dma_start3A : memref<1x640xf32, #tpu.memory_space<hbm>> -> memref<640xf32, #tpu.memory_space<hbm>>
      %dma_start3A_87 = tpu.memref_slice %arg6[%arg0, %mul3A_68] : memref<2x10240xf32, #tpu.memory_space<hbm>> -> memref<1x640xf32, #tpu.memory_space<hbm>>
      %dma_start3A_88 = tpu.memref_squeeze %dma_start3A_87 : memref<1x640xf32, #tpu.memory_space<hbm>> -> memref<640xf32, #tpu.memory_space<hbm>>
      tpu.enqueue_dma source(%arg14 : memref<640xf32, #tpu.memory_space<vmem>>) target(%dma_start3A_88 : memref<640xf32, #tpu.memory_space<hbm>>) target_semaphore(%run_scoped3A_85 : memref<!tpu.dma_semaphore, #tpu.memory_space<semaphore_mem>>)
      %dma_wait3A_89 = tpu.memref_slice %arg6[%arg0, %mul3A_68] : memref<2x10240xf32, #tpu.memory_space<hbm>> -> memref<1x640xf32, #tpu.memory_space<hbm>>
      %dma_wait3A_90 = tpu.memref_squeeze %dma_wait3A_89 : memref<1x640xf32, #tpu.memory_space<hbm>> -> memref<640xf32, #tpu.memory_space<hbm>>
      %dma_wait3A_91 = tpu.memref_slice %arg6[%arg0, %mul3A_68] : memref<2x10240xf32, #tpu.memory_space<hbm>> -> memref<1x640xf32, #tpu.memory_space<hbm>>
      %dma_wait3A_92 = tpu.memref_squeeze %dma_wait3A_91 : memref<1x640xf32, #tpu.memory_space<hbm>> -> memref<640xf32, #tpu.memory_space<hbm>>
      tpu.wait_dma2 semaphore(%run_scoped3A_85 : memref<!tpu.dma_semaphore, #tpu.memory_space<semaphore_mem>>) src(%arg14 : memref<640xf32, #tpu.memory_space<vmem>>) dst(%dma_wait3A_92 : memref<640xf32, #tpu.memory_space<hbm>>)
      tpu.yield
    }) : () -> ()
    %barrier3A_69 = arith.constant 0 : index
    tpu.barrier barrier_id(%barrier3A_69)
    "tpu.region"() ({
      %run_scoped3A_85 = tpu.sem_alloc : memref<!tpu.dma_semaphore, #tpu.memory_space<semaphore_mem>>
      tpu.enqueue_dma source(%arg9 : memref<10240xf32, #tpu.memory_space<vmem_shared>>) target(%arg12 : memref<10240xf32, #tpu.memory_space<vmem>>) target_semaphore(%run_scoped3A_85 : memref<!tpu.dma_semaphore, #tpu.memory_space<semaphore_mem>>)
      tpu.wait_dma2 semaphore(%run_scoped3A_85 : memref<!tpu.dma_semaphore, #tpu.memory_space<semaphore_mem>>) src(%arg9 : memref<10240xf32, #tpu.memory_space<vmem_shared>>) dst(%arg12 : memref<10240xf32, #tpu.memory_space<vmem>>)
      tpu.yield
    }) : () -> ()
    %scan3A_70 = arith.constant 0 : i32
    %scan3A_71 = arith.constant 0 : i32
    %scan3A_72 = arith.constant 160 : i32
    %scan3A_73 = arith.addi %scan3A_71, %scan3A_72 : i32
    %scan3A_74 = arith.constant 1 : i32
    %scan3A_75 = scf.for %scan3A_85 = %scan3A_71 to %scan3A_73 step %scan3A_74 iter_args(%scan3A_86 = %scan3A_70) -> (i32)  : i32 {
      %rem3A = arith.constant 2 : i32
      %rem3A_87 = arith.remsi %scan3A_85, %rem3A : i32
      %eq3A = arith.constant 0 : i32
      %eq3A_88 = arith.cmpi eq, %rem3A_87, %eq3A : i32
      %convert_element_type3A = arith.extui %eq3A_88 : i1 to i32
      %cond3A = arith.constant 0 : i32
      %cond3A_89 = arith.cmpi ne, %convert_element_type3A, %cond3A : i32
      scf.if %cond3A_89 {
        %ge3A = arith.constant 2 : i32
        %ge3A_98 = arith.cmpi sge, %scan3A_85, %ge3A : i32
        %convert_element_type3A_99 = arith.extui %ge3A_98 : i1 to i32
        %cond3A_100 = arith.constant 0 : i32
        %cond3A_101 = arith.cmpi ne, %convert_element_type3A_99, %cond3A_100 : i32
        scf.if %cond3A_101 {
          %dma_wait3A_244 = arith.constant 0 : i32
          %dma_wait3A_245 = tpu.memref_slice %arg7[%dma_wait3A_244] : memref<163840xf32, #tpu.memory_space<vmem_shared>> -> memref<163840xf32, #tpu.memory_space<vmem_shared>>
          tpu.wait_indirect_dma semaphore(%arg23 : memref<!tpu.dma_semaphore, #tpu.memory_space<semaphore_mem>>) src(%arg19 : memref<128xf32, #tpu.memory_space<vmem>>) dst(%dma_wait3A_245 : memref<163840xf32, #tpu.memory_space<vmem_shared>>)
        } else {
        }
        %mul3A_102 = arith.constant 128 : i32
        %mul3A_103 = arith.muli %scan3A_85, %mul3A_102 : i32
        %add3A = arith.constant 0 : i32
        %add3A_104 = arith.addi %mul3A_103, %add3A : i32
        %get3A = arith.index_cast %add3A_104 : i32 to index
        %get3A_105 = tpu.vector_load %arg16[%get3A] {strides = array<i32>} : memref<20480xi32, #tpu.memory_space<vmem>>, vector<16xi32>,
        %get3A_106 = arith.index_cast %add3A_104 : i32 to index
        %get3A_107 = tpu.vector_load %arg17[%get3A_106] {strides = array<i32>} : memref<20480xi32, #tpu.memory_space<vmem>>, vector<16xi32>,
        %gather3A = tpu.vector_load_idx %arg11[%get3A_105] : memref<10240xi32, #tpu.memory_space<vmem>>[vector<16xi32>], vector<16xi32>,
        %gather3A_108 = tpu.vector_load_idx %arg12[%get3A_105] : memref<10240xf32, #tpu.memory_space<vmem>>[vector<16xi32>], vector<16xf32>,
        %mul3A_109 = arith.constant 16 : i32
        %mul3A_110 = vector.broadcast %mul3A_109 : i32 to vector<16xi32>
        %mul3A_111 = arith.muli %get3A_107, %mul3A_110 : vector<16xi32>
        %add3A_112 = arith.addi %mul3A_111, %gather3A : vector<16xi32>
        %swap3A_113 = arith.constant 0 : index
        %swap3A_114 = tpu.vector_load %arg18[%swap3A_113] {strides = array<i32>} : memref<128xi32, #tpu.memory_space<vmem>>, vector<16xi32>,
        tpu.vector_store %arg18[%swap3A_113], %add3A_112 {strides = array<i32>} : memref<128xi32, #tpu.memory_space<vmem>>, vector<16xi32>,
        %swap3A_115 = arith.constant 0 : index
        %swap3A_116 = tpu.vector_load %arg19[%swap3A_115] {strides = array<i32>} : memref<128xf32, #tpu.memory_space<vmem>>, vector<16xf32>,
        tpu.vector_store %arg19[%swap3A_115], %gather3A_108 {strides = array<i32>} : memref<128xf32, #tpu.memory_space<vmem>>, vector<16xf32>,
        %mul3A_117 = arith.constant 128 : i32
        %mul3A_118 = arith.muli %scan3A_85, %mul3A_117 : i32
        %add3A_119 = arith.constant 16 : i32
        %add3A_120 = arith.addi %mul3A_118, %add3A_119 : i32
        %get3A_121 = arith.index_cast %add3A_120 : i32 to index
        %get3A_122 = tpu.vector_load %arg16[%get3A_121] {strides = array<i32>} : memref<20480xi32, #tpu.memory_space<vmem>>, vector<16xi32>,
        %get3A_123 = arith.index_cast %add3A_120 : i32 to index
        %get3A_124 = tpu.vector_load %arg17[%get3A_123] {strides = array<i32>} : memref<20480xi32, #tpu.memory_space<vmem>>, vector<16xi32>,
        %gather3A_125 = tpu.vector_load_idx %arg11[%get3A_122] : memref<10240xi32, #tpu.memory_space<vmem>>[vector<16xi32>], vector<16xi32>,
        %gather3A_126 = tpu.vector_load_idx %arg12[%get3A_122] : memref<10240xf32, #tpu.memory_space<vmem>>[vector<16xi32>], vector<16xf32>,
        %mul3A_127 = arith.constant 16 : i32
        %mul3A_128 = vector.broadcast %mul3A_127 : i32 to vector<16xi32>
        %mul3A_129 = arith.muli %get3A_124, %mul3A_128 : vector<16xi32>
        %add3A_130 = arith.addi %mul3A_129, %gather3A_125 : vector<16xi32>
        %swap3A_131 = arith.constant 16 : index
        %swap3A_132 = tpu.vector_load %arg18[%swap3A_131] {strides = array<i32>} : memref<128xi32, #tpu.memory_space<vmem>>, vector<16xi32>,
        tpu.vector_store %arg18[%swap3A_131], %add3A_130 {strides = array<i32>} : memref<128xi32, #tpu.memory_space<vmem>>, vector<16xi32>,
        %swap3A_133 = arith.constant 16 : index
        %swap3A_134 = tpu.vector_load %arg19[%swap3A_133] {strides = array<i32>} : memref<128xf32, #tpu.memory_space<vmem>>, vector<16xf32>,
        tpu.vector_store %arg19[%swap3A_133], %gather3A_126 {strides = array<i32>} : memref<128xf32, #tpu.memory_space<vmem>>, vector<16xf32>,
        %mul3A_135 = arith.constant 128 : i32
        %mul3A_136 = arith.muli %scan3A_85, %mul3A_135 : i32
        %add3A_137 = arith.constant 32 : i32
        %add3A_138 = arith.addi %mul3A_136, %add3A_137 : i32
        %get3A_139 = arith.index_cast %add3A_138 : i32 to index
        %get3A_140 = tpu.vector_load %arg16[%get3A_139] {strides = array<i32>} : memref<20480xi32, #tpu.memory_space<vmem>>, vector<16xi32>,
        %get3A_141 = arith.index_cast %add3A_138 : i32 to index
        %get3A_142 = tpu.vector_load %arg17[%get3A_141] {strides = array<i32>} : memref<20480xi32, #tpu.memory_space<vmem>>, vector<16xi32>,
        %gather3A_143 = tpu.vector_load_idx %arg11[%get3A_140] : memref<10240xi32, #tpu.memory_space<vmem>>[vector<16xi32>], vector<16xi32>,
        %gather3A_144 = tpu.vector_load_idx %arg12[%get3A_140] : memref<10240xf32, #tpu.memory_space<vmem>>[vector<16xi32>], vector<16xf32>,
        %mul3A_145 = arith.constant 16 : i32
        %mul3A_146 = vector.broadcast %mul3A_145 : i32 to vector<16xi32>
        %mul3A_147 = arith.muli %get3A_142, %mul3A_146 : vector<16xi32>
        %add3A_148 = arith.addi %mul3A_147, %gather3A_143 : vector<16xi32>
        %swap3A_149 = arith.constant 32 : index
        %swap3A_150 = tpu.vector_load %arg18[%swap3A_149] {strides = array<i32>} : memref<128xi32, #tpu.memory_space<vmem>>, vector<16xi32>,
        tpu.vector_store %arg18[%swap3A_149], %add3A_148 {strides = array<i32>} : memref<128xi32, #tpu.memory_space<vmem>>, vector<16xi32>,
        %swap3A_151 = arith.constant 32 : index
        %swap3A_152 = tpu.vector_load %arg19[%swap3A_151] {strides = array<i32>} : memref<128xf32, #tpu.memory_space<vmem>>, vector<16xf32>,
        tpu.vector_store %arg19[%swap3A_151], %gather3A_144 {strides = array<i32>} : memref<128xf32, #tpu.memory_space<vmem>>, vector<16xf32>,
        %mul3A_153 = arith.constant 128 : i32
        %mul3A_154 = arith.muli %scan3A_85, %mul3A_153 : i32
        %add3A_155 = arith.constant 48 : i32
        %add3A_156 = arith.addi %mul3A_154, %add3A_155 : i32
        %get3A_157 = arith.index_cast %add3A_156 : i32 to index
        %get3A_158 = tpu.vector_load %arg16[%get3A_157] {strides = array<i32>} : memref<20480xi32, #tpu.memory_space<vmem>>, vector<16xi32>,
        %get3A_159 = arith.index_cast %add3A_156 : i32 to index
        %get3A_160 = tpu.vector_load %arg17[%get3A_159] {strides = array<i32>} : memref<20480xi32, #tpu.memory_space<vmem>>, vector<16xi32>,
        %gather3A_161 = tpu.vector_load_idx %arg11[%get3A_158] : memref<10240xi32, #tpu.memory_space<vmem>>[vector<16xi32>], vector<16xi32>,
        %gather3A_162 = tpu.vector_load_idx %arg12[%get3A_158] : memref<10240xf32, #tpu.memory_space<vmem>>[vector<16xi32>], vector<16xf32>,
        %mul3A_163 = arith.constant 16 : i32
        %mul3A_164 = vector.broadcast %mul3A_163 : i32 to vector<16xi32>
        %mul3A_165 = arith.muli %get3A_160, %mul3A_164 : vector<16xi32>
        %add3A_166 = arith.addi %mul3A_165, %gather3A_161 : vector<16xi32>
        %swap3A_167 = arith.constant 48 : index
        %swap3A_168 = tpu.vector_load %arg18[%swap3A_167] {strides = array<i32>} : memref<128xi32, #tpu.memory_space<vmem>>, vector<16xi32>,
        tpu.vector_store %arg18[%swap3A_167], %add3A_166 {strides = array<i32>} : memref<128xi32, #tpu.memory_space<vmem>>, vector<16xi32>,
        %swap3A_169 = arith.constant 48 : index
        %swap3A_170 = tpu.vector_load %arg19[%swap3A_169] {strides = array<i32>} : memref<128xf32, #tpu.memory_space<vmem>>, vector<16xf32>,
        tpu.vector_store %arg19[%swap3A_169], %gather3A_162 {strides = array<i32>} : memref<128xf32, #tpu.memory_space<vmem>>, vector<16xf32>,
        %mul3A_171 = arith.constant 128 : i32
        %mul3A_172 = arith.muli %scan3A_85, %mul3A_171 : i32
        %add3A_173 = arith.constant 64 : i32
        %add3A_174 = arith.addi %mul3A_172, %add3A_173 : i32
        %get3A_175 = arith.index_cast %add3A_174 : i32 to index
        %get3A_176 = tpu.vector_load %arg16[%get3A_175] {strides = array<i32>} : memref<20480xi32, #tpu.memory_space<vmem>>, vector<16xi32>,
        %get3A_177 = arith.index_cast %add3A_174 : i32 to index
        %get3A_178 = tpu.vector_load %arg17[%get3A_177] {strides = array<i32>} : memref<20480xi32, #tpu.memory_space<vmem>>, vector<16xi32>,
        %gather3A_179 = tpu.vector_load_idx %arg11[%get3A_176] : memref<10240xi32, #tpu.memory_space<vmem>>[vector<16xi32>], vector<16xi32>,
        %gather3A_180 = tpu.vector_load_idx %arg12[%get3A_176] : memref<10240xf32, #tpu.memory_space<vmem>>[vector<16xi32>], vector<16xf32>,
        %mul3A_181 = arith.constant 16 : i32
        %mul3A_182 = vector.broadcast %mul3A_181 : i32 to vector<16xi32>
        %mul3A_183 = arith.muli %get3A_178, %mul3A_182 : vector<16xi32>
        %add3A_184 = arith.addi %mul3A_183, %gather3A_179 : vector<16xi32>
        %swap3A_185 = arith.constant 64 : index
        %swap3A_186 = tpu.vector_load %arg18[%swap3A_185] {strides = array<i32>} : memref<128xi32, #tpu.memory_space<vmem>>, vector<16xi32>,
        tpu.vector_store %arg18[%swap3A_185], %add3A_184 {strides = array<i32>} : memref<128xi32, #tpu.memory_space<vmem>>, vector<16xi32>,
        %swap3A_187 = arith.constant 64 : index
        %swap3A_188 = tpu.vector_load %arg19[%swap3A_187] {strides = array<i32>} : memref<128xf32, #tpu.memory_space<vmem>>, vector<16xf32>,
        tpu.vector_store %arg19[%swap3A_187], %gather3A_180 {strides = array<i32>} : memref<128xf32, #tpu.memory_space<vmem>>, vector<16xf32>,
        %mul3A_189 = arith.constant 128 : i32
        %mul3A_190 = arith.muli %scan3A_85, %mul3A_189 : i32
        %add3A_191 = arith.constant 80 : i32
        %add3A_192 = arith.addi %mul3A_190, %add3A_191 : i32
        %get3A_193 = arith.index_cast %add3A_192 : i32 to index
        %get3A_194 = tpu.vector_load %arg16[%get3A_193] {strides = array<i32>} : memref<20480xi32, #tpu.memory_space<vmem>>, vector<16xi32>,
        %get3A_195 = arith.index_cast %add3A_192 : i32 to index
        %get3A_196 = tpu.vector_load %arg17[%get3A_195] {strides = array<i32>} : memref<20480xi32, #tpu.memory_space<vmem>>, vector<16xi32>,
        %gather3A_197 = tpu.vector_load_idx %arg11[%get3A_194] : memref<10240xi32, #tpu.memory_space<vmem>>[vector<16xi32>], vector<16xi32>,
        %gather3A_198 = tpu.vector_load_idx %arg12[%get3A_194] : memref<10240xf32, #tpu.memory_space<vmem>>[vector<16xi32>], vector<16xf32>,
        %mul3A_199 = arith.constant 16 : i32
        %mul3A_200 = vector.broadcast %mul3A_199 : i32 to vector<16xi32>
        %mul3A_201 = arith.muli %get3A_196, %mul3A_200 : vector<16xi32>
        %add3A_202 = arith.addi %mul3A_201, %gather3A_197 : vector<16xi32>
        %swap3A_203 = arith.constant 80 : index
        %swap3A_204 = tpu.vector_load %arg18[%swap3A_203] {strides = array<i32>} : memref<128xi32, #tpu.memory_space<vmem>>, vector<16xi32>,
        tpu.vector_store %arg18[%swap3A_203], %add3A_202 {strides = array<i32>} : memref<128xi32, #tpu.memory_space<vmem>>, vector<16xi32>,
        %swap3A_205 = arith.constant 80 : index
        %swap3A_206 = tpu.vector_load %arg19[%swap3A_205] {strides = array<i32>} : memref<128xf32, #tpu.memory_space<vmem>>, vector<16xf32>,
        tpu.vector_store %arg19[%swap3A_205], %gather3A_198 {strides = array<i32>} : memref<128xf32, #tpu.memory_space<vmem>>, vector<16xf32>,
        %mul3A_207 = arith.constant 128 : i32
        %mul3A_208 = arith.muli %scan3A_85, %mul3A_207 : i32
        %add3A_209 = arith.constant 96 : i32
        %add3A_210 = arith.addi %mul3A_208, %add3A_209 : i32
        %get3A_211 = arith.index_cast %add3A_210 : i32 to index
        %get3A_212 = tpu.vector_load %arg16[%get3A_211] {strides = array<i32>} : memref<20480xi32, #tpu.memory_space<vmem>>, vector<16xi32>,
        %get3A_213 = arith.index_cast %add3A_210 : i32 to index
        %get3A_214 = tpu.vector_load %arg17[%get3A_213] {strides = array<i32>} : memref<20480xi32, #tpu.memory_space<vmem>>, vector<16xi32>,
        %gather3A_215 = tpu.vector_load_idx %arg11[%get3A_212] : memref<10240xi32, #tpu.memory_space<vmem>>[vector<16xi32>], vector<16xi32>,
        %gather3A_216 = tpu.vector_load_idx %arg12[%get3A_212] : memref<10240xf32, #tpu.memory_space<vmem>>[vector<16xi32>], vector<16xf32>,
        %mul3A_217 = arith.constant 16 : i32
        %mul3A_218 = vector.broadcast %mul3A_217 : i32 to vector<16xi32>
        %mul3A_219 = arith.muli %get3A_214, %mul3A_218 : vector<16xi32>
        %add3A_220 = arith.addi %mul3A_219, %gather3A_215 : vector<16xi32>
        %swap3A_221 = arith.constant 96 : index
        %swap3A_222 = tpu.vector_load %arg18[%swap3A_221] {strides = array<i32>} : memref<128xi32, #tpu.memory_space<vmem>>, vector<16xi32>,
        tpu.vector_store %arg18[%swap3A_221], %add3A_220 {strides = array<i32>} : memref<128xi32, #tpu.memory_space<vmem>>, vector<16xi32>,
        %swap3A_223 = arith.constant 96 : index
        %swap3A_224 = tpu.vector_load %arg19[%swap3A_223] {strides = array<i32>} : memref<128xf32, #tpu.memory_space<vmem>>, vector<16xf32>,
        tpu.vector_store %arg19[%swap3A_223], %gather3A_216 {strides = array<i32>} : memref<128xf32, #tpu.memory_space<vmem>>, vector<16xf32>,
        %mul3A_225 = arith.constant 128 : i32
        %mul3A_226 = arith.muli %scan3A_85, %mul3A_225 : i32
        %add3A_227 = arith.constant 112 : i32
        %add3A_228 = arith.addi %mul3A_226, %add3A_227 : i32
        %get3A_229 = arith.index_cast %add3A_228 : i32 to index
        %get3A_230 = tpu.vector_load %arg16[%get3A_229] {strides = array<i32>} : memref<20480xi32, #tpu.memory_space<vmem>>, vector<16xi32>,
        %get3A_231 = arith.index_cast %add3A_228 : i32 to index
        %get3A_232 = tpu.vector_load %arg17[%get3A_231] {strides = array<i32>} : memref<20480xi32, #tpu.memory_space<vmem>>, vector<16xi32>,
        %gather3A_233 = tpu.vector_load_idx %arg11[%get3A_230] : memref<10240xi32, #tpu.memory_space<vmem>>[vector<16xi32>], vector<16xi32>,
        %gather3A_234 = tpu.vector_load_idx %arg12[%get3A_230] : memref<10240xf32, #tpu.memory_space<vmem>>[vector<16xi32>], vector<16xf32>,
        %mul3A_235 = arith.constant 16 : i32
        %mul3A_236 = vector.broadcast %mul3A_235 : i32 to vector<16xi32>
        %mul3A_237 = arith.muli %get3A_232, %mul3A_236 : vector<16xi32>
        %add3A_238 = arith.addi %mul3A_237, %gather3A_233 : vector<16xi32>
        %swap3A_239 = arith.constant 112 : index
        %swap3A_240 = tpu.vector_load %arg18[%swap3A_239] {strides = array<i32>} : memref<128xi32, #tpu.memory_space<vmem>>, vector<16xi32>,
        tpu.vector_store %arg18[%swap3A_239], %add3A_238 {strides = array<i32>} : memref<128xi32, #tpu.memory_space<vmem>>, vector<16xi32>,
        %swap3A_241 = arith.constant 112 : index
        %swap3A_242 = tpu.vector_load %arg19[%swap3A_241] {strides = array<i32>} : memref<128xf32, #tpu.memory_space<vmem>>, vector<16xf32>,
        tpu.vector_store %arg19[%swap3A_241], %gather3A_234 {strides = array<i32>} : memref<128xf32, #tpu.memory_space<vmem>>, vector<16xf32>,
        %dma_start3A = arith.constant 0 : i32
        %dma_start3A_243 = tpu.memref_slice %arg7[%dma_start3A] : memref<163840xf32, #tpu.memory_space<vmem_shared>> -> memref<163840xf32, #tpu.memory_space<vmem_shared>>
        tpu.enqueue_indirect_dma source(%arg19 : memref<128xf32, #tpu.memory_space<vmem>>) target(%dma_start3A_243 : memref<163840xf32, #tpu.memory_space<vmem_shared>>) offsets(%arg18 : memref<128xi32, #tpu.memory_space<vmem>>) semaphore(%arg23 : memref<!tpu.dma_semaphore, #tpu.memory_space<semaphore_mem>>) {add = true}
      } else {
      }
      %rem3A_90 = arith.constant 2 : i32
      %rem3A_91 = arith.remsi %scan3A_85, %rem3A_90 : i32
      %eq3A_92 = arith.constant 1 : i32
      %eq3A_93 = arith.cmpi eq, %rem3A_91, %eq3A_92 : i32
      %convert_element_type3A_94 = arith.extui %eq3A_93 : i1 to i32
      %cond3A_95 = arith.constant 0 : i32
      %cond3A_96 = arith.cmpi ne, %convert_element_type3A_94, %cond3A_95 : i32
      scf.if %cond3A_96 {
        %ge3A = arith.constant 2 : i32
        %ge3A_98 = arith.cmpi sge, %scan3A_85, %ge3A : i32
        %convert_element_type3A_99 = arith.extui %ge3A_98 : i1 to i32
        %cond3A_100 = arith.constant 0 : i32
        %cond3A_101 = arith.cmpi ne, %convert_element_type3A_99, %cond3A_100 : i32
        scf.if %cond3A_101 {
          %dma_wait3A_244 = arith.constant 0 : i32
          %dma_wait3A_245 = tpu.memref_slice %arg7[%dma_wait3A_244] : memref<163840xf32, #tpu.memory_space<vmem_shared>> -> memref<163840xf32, #tpu.memory_space<vmem_shared>>
          tpu.wait_indirect_dma semaphore(%arg23 : memref<!tpu.dma_semaphore, #tpu.memory_space<semaphore_mem>>) src(%arg21 : memref<128xf32, #tpu.memory_space<vmem>>) dst(%dma_wait3A_245 : memref<163840xf32, #tpu.memory_space<vmem_shared>>)
        } else {
        }
        %mul3A_102 = arith.constant 128 : i32
        %mul3A_103 = arith.muli %scan3A_85, %mul3A_102 : i32
        %add3A = arith.constant 0 : i32
        %add3A_104 = arith.addi %mul3A_103, %add3A : i32
        %get3A = arith.index_cast %add3A_104 : i32 to index
        %get3A_105 = tpu.vector_load %arg16[%get3A] {strides = array<i32>} : memref<20480xi32, #tpu.memory_space<vmem>>, vector<16xi32>,
        %get3A_106 = arith.index_cast %add3A_104 : i32 to index
        %get3A_107 = tpu.vector_load %arg17[%get3A_106] {strides = array<i32>} : memref<20480xi32, #tpu.memory_space<vmem>>, vector<16xi32>,
        %gather3A = tpu.vector_load_idx %arg11[%get3A_105] : memref<10240xi32, #tpu.memory_space<vmem>>[vector<16xi32>], vector<16xi32>,
        %gather3A_108 = tpu.vector_load_idx %arg12[%get3A_105] : memref<10240xf32, #tpu.memory_space<vmem>>[vector<16xi32>], vector<16xf32>,
        %mul3A_109 = arith.constant 16 : i32
        %mul3A_110 = vector.broadcast %mul3A_109 : i32 to vector<16xi32>
        %mul3A_111 = arith.muli %get3A_107, %mul3A_110 : vector<16xi32>
        %add3A_112 = arith.addi %mul3A_111, %gather3A : vector<16xi32>
        %swap3A_113 = arith.constant 0 : index
        %swap3A_114 = tpu.vector_load %arg20[%swap3A_113] {strides = array<i32>} : memref<128xi32, #tpu.memory_space<vmem>>, vector<16xi32>,
        tpu.vector_store %arg20[%swap3A_113], %add3A_112 {strides = array<i32>} : memref<128xi32, #tpu.memory_space<vmem>>, vector<16xi32>,
        %swap3A_115 = arith.constant 0 : index
        %swap3A_116 = tpu.vector_load %arg21[%swap3A_115] {strides = array<i32>} : memref<128xf32, #tpu.memory_space<vmem>>, vector<16xf32>,
        tpu.vector_store %arg21[%swap3A_115], %gather3A_108 {strides = array<i32>} : memref<128xf32, #tpu.memory_space<vmem>>, vector<16xf32>,
        %mul3A_117 = arith.constant 128 : i32
        %mul3A_118 = arith.muli %scan3A_85, %mul3A_117 : i32
        %add3A_119 = arith.constant 16 : i32
        %add3A_120 = arith.addi %mul3A_118, %add3A_119 : i32
        %get3A_121 = arith.index_cast %add3A_120 : i32 to index
        %get3A_122 = tpu.vector_load %arg16[%get3A_121] {strides = array<i32>} : memref<20480xi32, #tpu.memory_space<vmem>>, vector<16xi32>,
        %get3A_123 = arith.index_cast %add3A_120 : i32 to index
        %get3A_124 = tpu.vector_load %arg17[%get3A_123] {strides = array<i32>} : memref<20480xi32, #tpu.memory_space<vmem>>, vector<16xi32>,
        %gather3A_125 = tpu.vector_load_idx %arg11[%get3A_122] : memref<10240xi32, #tpu.memory_space<vmem>>[vector<16xi32>], vector<16xi32>,
        %gather3A_126 = tpu.vector_load_idx %arg12[%get3A_122] : memref<10240xf32, #tpu.memory_space<vmem>>[vector<16xi32>], vector<16xf32>,
        %mul3A_127 = arith.constant 16 : i32
        %mul3A_128 = vector.broadcast %mul3A_127 : i32 to vector<16xi32>
        %mul3A_129 = arith.muli %get3A_124, %mul3A_128 : vector<16xi32>
        %add3A_130 = arith.addi %mul3A_129, %gather3A_125 : vector<16xi32>
        %swap3A_131 = arith.constant 16 : index
        %swap3A_132 = tpu.vector_load %arg20[%swap3A_131] {strides = array<i32>} : memref<128xi32, #tpu.memory_space<vmem>>, vector<16xi32>,
        tpu.vector_store %arg20[%swap3A_131], %add3A_130 {strides = array<i32>} : memref<128xi32, #tpu.memory_space<vmem>>, vector<16xi32>,
        %swap3A_133 = arith.constant 16 : index
        %swap3A_134 = tpu.vector_load %arg21[%swap3A_133] {strides = array<i32>} : memref<128xf32, #tpu.memory_space<vmem>>, vector<16xf32>,
        tpu.vector_store %arg21[%swap3A_133], %gather3A_126 {strides = array<i32>} : memref<128xf32, #tpu.memory_space<vmem>>, vector<16xf32>,
        %mul3A_135 = arith.constant 128 : i32
        %mul3A_136 = arith.muli %scan3A_85, %mul3A_135 : i32
        %add3A_137 = arith.constant 32 : i32
        %add3A_138 = arith.addi %mul3A_136, %add3A_137 : i32
        %get3A_139 = arith.index_cast %add3A_138 : i32 to index
        %get3A_140 = tpu.vector_load %arg16[%get3A_139] {strides = array<i32>} : memref<20480xi32, #tpu.memory_space<vmem>>, vector<16xi32>,
        %get3A_141 = arith.index_cast %add3A_138 : i32 to index
        %get3A_142 = tpu.vector_load %arg17[%get3A_141] {strides = array<i32>} : memref<20480xi32, #tpu.memory_space<vmem>>, vector<16xi32>,
        %gather3A_143 = tpu.vector_load_idx %arg11[%get3A_140] : memref<10240xi32, #tpu.memory_space<vmem>>[vector<16xi32>], vector<16xi32>,
        %gather3A_144 = tpu.vector_load_idx %arg12[%get3A_140] : memref<10240xf32, #tpu.memory_space<vmem>>[vector<16xi32>], vector<16xf32>,
        %mul3A_145 = arith.constant 16 : i32
        %mul3A_146 = vector.broadcast %mul3A_145 : i32 to vector<16xi32>
        %mul3A_147 = arith.muli %get3A_142, %mul3A_146 : vector<16xi32>
        %add3A_148 = arith.addi %mul3A_147, %gather3A_143 : vector<16xi32>
        %swap3A_149 = arith.constant 32 : index
        %swap3A_150 = tpu.vector_load %arg20[%swap3A_149] {strides = array<i32>} : memref<128xi32, #tpu.memory_space<vmem>>, vector<16xi32>,
        tpu.vector_store %arg20[%swap3A_149], %add3A_148 {strides = array<i32>} : memref<128xi32, #tpu.memory_space<vmem>>, vector<16xi32>,
        %swap3A_151 = arith.constant 32 : index
        %swap3A_152 = tpu.vector_load %arg21[%swap3A_151] {strides = array<i32>} : memref<128xf32, #tpu.memory_space<vmem>>, vector<16xf32>,
        tpu.vector_store %arg21[%swap3A_151], %gather3A_144 {strides = array<i32>} : memref<128xf32, #tpu.memory_space<vmem>>, vector<16xf32>,
        %mul3A_153 = arith.constant 128 : i32
        %mul3A_154 = arith.muli %scan3A_85, %mul3A_153 : i32
        %add3A_155 = arith.constant 48 : i32
        %add3A_156 = arith.addi %mul3A_154, %add3A_155 : i32
        %get3A_157 = arith.index_cast %add3A_156 : i32 to index
        %get3A_158 = tpu.vector_load %arg16[%get3A_157] {strides = array<i32>} : memref<20480xi32, #tpu.memory_space<vmem>>, vector<16xi32>,
        %get3A_159 = arith.index_cast %add3A_156 : i32 to index
        %get3A_160 = tpu.vector_load %arg17[%get3A_159] {strides = array<i32>} : memref<20480xi32, #tpu.memory_space<vmem>>, vector<16xi32>,
        %gather3A_161 = tpu.vector_load_idx %arg11[%get3A_158] : memref<10240xi32, #tpu.memory_space<vmem>>[vector<16xi32>], vector<16xi32>,
        %gather3A_162 = tpu.vector_load_idx %arg12[%get3A_158] : memref<10240xf32, #tpu.memory_space<vmem>>[vector<16xi32>], vector<16xf32>,
        %mul3A_163 = arith.constant 16 : i32
        %mul3A_164 = vector.broadcast %mul3A_163 : i32 to vector<16xi32>
        %mul3A_165 = arith.muli %get3A_160, %mul3A_164 : vector<16xi32>
        %add3A_166 = arith.addi %mul3A_165, %gather3A_161 : vector<16xi32>
        %swap3A_167 = arith.constant 48 : index
        %swap3A_168 = tpu.vector_load %arg20[%swap3A_167] {strides = array<i32>} : memref<128xi32, #tpu.memory_space<vmem>>, vector<16xi32>,
        tpu.vector_store %arg20[%swap3A_167], %add3A_166 {strides = array<i32>} : memref<128xi32, #tpu.memory_space<vmem>>, vector<16xi32>,
        %swap3A_169 = arith.constant 48 : index
        %swap3A_170 = tpu.vector_load %arg21[%swap3A_169] {strides = array<i32>} : memref<128xf32, #tpu.memory_space<vmem>>, vector<16xf32>,
        tpu.vector_store %arg21[%swap3A_169], %gather3A_162 {strides = array<i32>} : memref<128xf32, #tpu.memory_space<vmem>>, vector<16xf32>,
        %mul3A_171 = arith.constant 128 : i32
        %mul3A_172 = arith.muli %scan3A_85, %mul3A_171 : i32
        %add3A_173 = arith.constant 64 : i32
        %add3A_174 = arith.addi %mul3A_172, %add3A_173 : i32
        %get3A_175 = arith.index_cast %add3A_174 : i32 to index
        %get3A_176 = tpu.vector_load %arg16[%get3A_175] {strides = array<i32>} : memref<20480xi32, #tpu.memory_space<vmem>>, vector<16xi32>,
        %get3A_177 = arith.index_cast %add3A_174 : i32 to index
        %get3A_178 = tpu.vector_load %arg17[%get3A_177] {strides = array<i32>} : memref<20480xi32, #tpu.memory_space<vmem>>, vector<16xi32>,
        %gather3A_179 = tpu.vector_load_idx %arg11[%get3A_176] : memref<10240xi32, #tpu.memory_space<vmem>>[vector<16xi32>], vector<16xi32>,
        %gather3A_180 = tpu.vector_load_idx %arg12[%get3A_176] : memref<10240xf32, #tpu.memory_space<vmem>>[vector<16xi32>], vector<16xf32>,
        %mul3A_181 = arith.constant 16 : i32
        %mul3A_182 = vector.broadcast %mul3A_181 : i32 to vector<16xi32>
        %mul3A_183 = arith.muli %get3A_178, %mul3A_182 : vector<16xi32>
        %add3A_184 = arith.addi %mul3A_183, %gather3A_179 : vector<16xi32>
        %swap3A_185 = arith.constant 64 : index
        %swap3A_186 = tpu.vector_load %arg20[%swap3A_185] {strides = array<i32>} : memref<128xi32, #tpu.memory_space<vmem>>, vector<16xi32>,
        tpu.vector_store %arg20[%swap3A_185], %add3A_184 {strides = array<i32>} : memref<128xi32, #tpu.memory_space<vmem>>, vector<16xi32>,
        %swap3A_187 = arith.constant 64 : index
        %swap3A_188 = tpu.vector_load %arg21[%swap3A_187] {strides = array<i32>} : memref<128xf32, #tpu.memory_space<vmem>>, vector<16xf32>,
        tpu.vector_store %arg21[%swap3A_187], %gather3A_180 {strides = array<i32>} : memref<128xf32, #tpu.memory_space<vmem>>, vector<16xf32>,
        %mul3A_189 = arith.constant 128 : i32
        %mul3A_190 = arith.muli %scan3A_85, %mul3A_189 : i32
        %add3A_191 = arith.constant 80 : i32
        %add3A_192 = arith.addi %mul3A_190, %add3A_191 : i32
        %get3A_193 = arith.index_cast %add3A_192 : i32 to index
        %get3A_194 = tpu.vector_load %arg16[%get3A_193] {strides = array<i32>} : memref<20480xi32, #tpu.memory_space<vmem>>, vector<16xi32>,
        %get3A_195 = arith.index_cast %add3A_192 : i32 to index
        %get3A_196 = tpu.vector_load %arg17[%get3A_195] {strides = array<i32>} : memref<20480xi32, #tpu.memory_space<vmem>>, vector<16xi32>,
        %gather3A_197 = tpu.vector_load_idx %arg11[%get3A_194] : memref<10240xi32, #tpu.memory_space<vmem>>[vector<16xi32>], vector<16xi32>,
        %gather3A_198 = tpu.vector_load_idx %arg12[%get3A_194] : memref<10240xf32, #tpu.memory_space<vmem>>[vector<16xi32>], vector<16xf32>,
        %mul3A_199 = arith.constant 16 : i32
        %mul3A_200 = vector.broadcast %mul3A_199 : i32 to vector<16xi32>
        %mul3A_201 = arith.muli %get3A_196, %mul3A_200 : vector<16xi32>
        %add3A_202 = arith.addi %mul3A_201, %gather3A_197 : vector<16xi32>
        %swap3A_203 = arith.constant 80 : index
        %swap3A_204 = tpu.vector_load %arg20[%swap3A_203] {strides = array<i32>} : memref<128xi32, #tpu.memory_space<vmem>>, vector<16xi32>,
        tpu.vector_store %arg20[%swap3A_203], %add3A_202 {strides = array<i32>} : memref<128xi32, #tpu.memory_space<vmem>>, vector<16xi32>,
        %swap3A_205 = arith.constant 80 : index
        %swap3A_206 = tpu.vector_load %arg21[%swap3A_205] {strides = array<i32>} : memref<128xf32, #tpu.memory_space<vmem>>, vector<16xf32>,
        tpu.vector_store %arg21[%swap3A_205], %gather3A_198 {strides = array<i32>} : memref<128xf32, #tpu.memory_space<vmem>>, vector<16xf32>,
        %mul3A_207 = arith.constant 128 : i32
        %mul3A_208 = arith.muli %scan3A_85, %mul3A_207 : i32
        %add3A_209 = arith.constant 96 : i32
        %add3A_210 = arith.addi %mul3A_208, %add3A_209 : i32
        %get3A_211 = arith.index_cast %add3A_210 : i32 to index
        %get3A_212 = tpu.vector_load %arg16[%get3A_211] {strides = array<i32>} : memref<20480xi32, #tpu.memory_space<vmem>>, vector<16xi32>,
        %get3A_213 = arith.index_cast %add3A_210 : i32 to index
        %get3A_214 = tpu.vector_load %arg17[%get3A_213] {strides = array<i32>} : memref<20480xi32, #tpu.memory_space<vmem>>, vector<16xi32>,
        %gather3A_215 = tpu.vector_load_idx %arg11[%get3A_212] : memref<10240xi32, #tpu.memory_space<vmem>>[vector<16xi32>], vector<16xi32>,
        %gather3A_216 = tpu.vector_load_idx %arg12[%get3A_212] : memref<10240xf32, #tpu.memory_space<vmem>>[vector<16xi32>], vector<16xf32>,
        %mul3A_217 = arith.constant 16 : i32
        %mul3A_218 = vector.broadcast %mul3A_217 : i32 to vector<16xi32>
        %mul3A_219 = arith.muli %get3A_214, %mul3A_218 : vector<16xi32>
        %add3A_220 = arith.addi %mul3A_219, %gather3A_215 : vector<16xi32>
        %swap3A_221 = arith.constant 96 : index
        %swap3A_222 = tpu.vector_load %arg20[%swap3A_221] {strides = array<i32>} : memref<128xi32, #tpu.memory_space<vmem>>, vector<16xi32>,
        tpu.vector_store %arg20[%swap3A_221], %add3A_220 {strides = array<i32>} : memref<128xi32, #tpu.memory_space<vmem>>, vector<16xi32>,
        %swap3A_223 = arith.constant 96 : index
        %swap3A_224 = tpu.vector_load %arg21[%swap3A_223] {strides = array<i32>} : memref<128xf32, #tpu.memory_space<vmem>>, vector<16xf32>,
        tpu.vector_store %arg21[%swap3A_223], %gather3A_216 {strides = array<i32>} : memref<128xf32, #tpu.memory_space<vmem>>, vector<16xf32>,
        %mul3A_225 = arith.constant 128 : i32
        %mul3A_226 = arith.muli %scan3A_85, %mul3A_225 : i32
        %add3A_227 = arith.constant 112 : i32
        %add3A_228 = arith.addi %mul3A_226, %add3A_227 : i32
        %get3A_229 = arith.index_cast %add3A_228 : i32 to index
        %get3A_230 = tpu.vector_load %arg16[%get3A_229] {strides = array<i32>} : memref<20480xi32, #tpu.memory_space<vmem>>, vector<16xi32>,
        %get3A_231 = arith.index_cast %add3A_228 : i32 to index
        %get3A_232 = tpu.vector_load %arg17[%get3A_231] {strides = array<i32>} : memref<20480xi32, #tpu.memory_space<vmem>>, vector<16xi32>,
        %gather3A_233 = tpu.vector_load_idx %arg11[%get3A_230] : memref<10240xi32, #tpu.memory_space<vmem>>[vector<16xi32>], vector<16xi32>,
        %gather3A_234 = tpu.vector_load_idx %arg12[%get3A_230] : memref<10240xf32, #tpu.memory_space<vmem>>[vector<16xi32>], vector<16xf32>,
        %mul3A_235 = arith.constant 16 : i32
        %mul3A_236 = vector.broadcast %mul3A_235 : i32 to vector<16xi32>
        %mul3A_237 = arith.muli %get3A_232, %mul3A_236 : vector<16xi32>
        %add3A_238 = arith.addi %mul3A_237, %gather3A_233 : vector<16xi32>
        %swap3A_239 = arith.constant 112 : index
        %swap3A_240 = tpu.vector_load %arg20[%swap3A_239] {strides = array<i32>} : memref<128xi32, #tpu.memory_space<vmem>>, vector<16xi32>,
        tpu.vector_store %arg20[%swap3A_239], %add3A_238 {strides = array<i32>} : memref<128xi32, #tpu.memory_space<vmem>>, vector<16xi32>,
        %swap3A_241 = arith.constant 112 : index
        %swap3A_242 = tpu.vector_load %arg21[%swap3A_241] {strides = array<i32>} : memref<128xf32, #tpu.memory_space<vmem>>, vector<16xf32>,
        tpu.vector_store %arg21[%swap3A_241], %gather3A_234 {strides = array<i32>} : memref<128xf32, #tpu.memory_space<vmem>>, vector<16xf32>,
        %dma_start3A = arith.constant 0 : i32
        %dma_start3A_243 = tpu.memref_slice %arg7[%dma_start3A] : memref<163840xf32, #tpu.memory_space<vmem_shared>> -> memref<163840xf32, #tpu.memory_space<vmem_shared>>
        tpu.enqueue_indirect_dma source(%arg21 : memref<128xf32, #tpu.memory_space<vmem>>) target(%dma_start3A_243 : memref<163840xf32, #tpu.memory_space<vmem_shared>>) offsets(%arg20 : memref<128xi32, #tpu.memory_space<vmem>>) semaphore(%arg23 : memref<!tpu.dma_semaphore, #tpu.memory_space<semaphore_mem>>) {add = true}
      } else {
      }
      %scan3A_97 = arith.constant 0 : i32
      scf.yield %scan3A_97 : i32
    }
    %scan3A_76 = arith.constant 160 : i32
    %dma_wait3A = arith.constant 0 : i32
    %dma_wait3A_77 = tpu.memref_slice %arg7[%dma_wait3A] : memref<163840xf32, #tpu.memory_space<vmem_shared>> -> memref<163840xf32, #tpu.memory_space<vmem_shared>>
    tpu.wait_indirect_dma semaphore(%arg23 : memref<!tpu.dma_semaphore, #tpu.memory_space<semaphore_mem>>) src(%arg19 : memref<128xf32, #tpu.memory_space<vmem>>) dst(%dma_wait3A_77 : memref<163840xf32, #tpu.memory_space<vmem_shared>>)
    %dma_wait3A_78 = arith.constant 0 : i32
    %dma_wait3A_79 = tpu.memref_slice %arg7[%dma_wait3A_78] : memref<163840xf32, #tpu.memory_space<vmem_shared>> -> memref<163840xf32, #tpu.memory_space<vmem_shared>>
    tpu.wait_indirect_dma semaphore(%arg23 : memref<!tpu.dma_semaphore, #tpu.memory_space<semaphore_mem>>) src(%arg21 : memref<128xf32, #tpu.memory_space<vmem>>) dst(%dma_wait3A_79 : memref<163840xf32, #tpu.memory_space<vmem_shared>>)
    %barrier3A_80 = arith.constant 0 : index
    tpu.barrier barrier_id(%barrier3A_80)
    %mul3A_81 = arith.constant 10240 : i32
    %mul3A_82 = arith.muli %arg1, %mul3A_81 : i32
    %mul3A_83 = arith.constant 10240 : i32
    %mul3A_84 = arith.muli %arg1, %mul3A_83 : i32
    "tpu.region"() ({
      %run_scoped3A_85 = tpu.sem_alloc : memref<!tpu.dma_semaphore, #tpu.memory_space<semaphore_mem>>
      %dma_start3A = tpu.memref_slice %arg5[%arg0, %mul3A_84] : memref<2x163840xf32, #tpu.memory_space<hbm>> -> memref<1x10240xf32, #tpu.memory_space<hbm>>
      %dma_start3A_86 = tpu.memref_squeeze %dma_start3A : memref<1x10240xf32, #tpu.memory_space<hbm>> -> memref<10240xf32, #tpu.memory_space<hbm>>
      %dma_start3A_87 = tpu.memref_slice %arg7[%mul3A_82] : memref<163840xf32, #tpu.memory_space<vmem_shared>> -> memref<10240xf32, #tpu.memory_space<vmem_shared>>
      tpu.enqueue_dma source(%dma_start3A_87 : memref<10240xf32, #tpu.memory_space<vmem_shared>>) target(%dma_start3A_86 : memref<10240xf32, #tpu.memory_space<hbm>>) target_semaphore(%run_scoped3A_85 : memref<!tpu.dma_semaphore, #tpu.memory_space<semaphore_mem>>)
      %dma_wait3A_88 = tpu.memref_slice %arg5[%arg0, %mul3A_84] : memref<2x163840xf32, #tpu.memory_space<hbm>> -> memref<1x10240xf32, #tpu.memory_space<hbm>>
      %dma_wait3A_89 = tpu.memref_squeeze %dma_wait3A_88 : memref<1x10240xf32, #tpu.memory_space<hbm>> -> memref<10240xf32, #tpu.memory_space<hbm>>
      %dma_wait3A_90 = tpu.memref_slice %arg7[%mul3A_82] : memref<163840xf32, #tpu.memory_space<vmem_shared>> -> memref<10240xf32, #tpu.memory_space<vmem_shared>>
      tpu.wait_dma2 semaphore(%run_scoped3A_85 : memref<!tpu.dma_semaphore, #tpu.memory_space<semaphore_mem>>) src(%dma_wait3A_90 : memref<10240xf32, #tpu.memory_space<vmem_shared>>) dst(%dma_wait3A_89 : memref<10240xf32, #tpu.memory_space<hbm>>)
      tpu.yield
    }) : () -> ()
    return
  }
}

module attributes {stable_mosaic.version = 14 : i64} {
  func.func @_tc1_body(%arg0: i32, %arg1: i32, %arg2: memref<1x1024x16xf32, #tpu.memory_space<vmem>>, %arg3: memref<1x1x1x1024xf32, #tpu.memory_space<vmem>>, %arg4: memref<1x1x1024xi32, #tpu.memory_space<vmem>>, %arg5: memref<16x128xf32, #tpu.memory_space<vmem>>, %arg6: memref<1x128x256xf32, #tpu.memory_space<vmem>>, %arg7: memref<1x1x256xf32, #tpu.memory_space<vmem>>, %arg8: memref<1x256x128xf32, #tpu.memory_space<vmem>>, %arg9: memref<1x1024x128xf32, #tpu.memory_space<vmem>>) attributes {dimension_semantics = [#tpu.dimension_semantics<arbitrary>, #tpu.dimension_semantics<arbitrary>], iteration_bounds = array<i64: 2, 10>, scalar_prefetch = 0 : i64, scratch_operands = 0 : i64, tpu.core_type = #tpu.core_type<tc>, window_params = [{transform_indices = @transform_0, window_bounds = array<i64: 1, 1024, 16>}, {transform_indices = @transform_1, window_bounds = array<i64: 1, 1, 1, 1024>}, {transform_indices = @transform_2, window_bounds = array<i64: 1, 1, 1024>}, {pipeline_mode = #tpu.pipeline_mode<synchronous>, transform_indices = @transform_3, window_bounds = array<i64: 16, 128>}, {transform_indices = @transform_4, window_bounds = array<i64: 1, 128, 256>}, {transform_indices = @transform_5, window_bounds = array<i64: 1, 1, 256>}, {transform_indices = @transform_6, window_bounds = array<i64: 1, 256, 128>}, {transform_indices = @transform_7, window_bounds = array<i64: 1, 1024, 128>}]} {
    %get3A = arith.constant 0 : index
    %get3A_0 = arith.constant 0 : index
    %get3A_1 = arith.constant 0 : index
    %get3A_2 = vector.load %arg2[%get3A, %get3A_0, %get3A_1] : memref<1x1024x16xf32, #tpu.memory_space<vmem>>, vector<1x1024x16xf32>
    %get3A_3 = vector.shape_cast %get3A_2 : vector<1x1024x16xf32> to vector<1024x16xf32>
    %get3A_4 = arith.constant 0 : index
    %get3A_5 = arith.constant 0 : index
    %get3A_6 = arith.constant 0 : index
    %get3A_7 = arith.constant 0 : index
    %get3A_8 = vector.load %arg3[%get3A_4, %get3A_5, %get3A_6, %get3A_7] : memref<1x1x1x1024xf32, #tpu.memory_space<vmem>>, vector<1x1x1x1024xf32>
    %get3A_9 = vector.shape_cast %get3A_8 : vector<1x1x1x1024xf32> to vector<1024xf32>
    %get3A_10 = arith.constant 0 : index
    %get3A_11 = arith.constant 0 : index
    %get3A_12 = arith.constant 0 : index
    %get3A_13 = vector.load %arg4[%get3A_10, %get3A_11, %get3A_12] : memref<1x1x1024xi32, #tpu.memory_space<vmem>>, vector<1x1x1024xi32>
    %get3A_14 = vector.shape_cast %get3A_13 : vector<1x1x1024xi32> to vector<1024xi32>
    %get3A_15 = arith.constant 0 : index
    %get3A_16 = arith.constant 0 : index
    %get3A_17 = vector.load %arg5[%get3A_15, %get3A_16] : memref<16x128xf32, #tpu.memory_space<vmem>>, vector<16x128xf32>
    %get3A_18 = arith.constant 0 : index
    %get3A_19 = arith.constant 0 : index
    %get3A_20 = arith.constant 0 : index
    %get3A_21 = vector.load %arg6[%get3A_18, %get3A_19, %get3A_20] : memref<1x128x256xf32, #tpu.memory_space<vmem>>, vector<1x128x256xf32>
    %get3A_22 = vector.shape_cast %get3A_21 : vector<1x128x256xf32> to vector<128x256xf32>
    %dot_general3A = arith.constant dense<0.000000e+00> : vector<16x256xf32>
    %dot_general3A_23 = tpu.matmul %get3A_17, %get3A_22, %dot_general3A {dimension_numbers = #tpu.dot_dimension_numbers<[1], [0], [0], [1], [0, 0, 1, 1], [], []>, transpose_lhs_hint = false} : vector<16x128xf32>, vector<128x256xf32>, vector<16x256xf32> -> vector<16x256xf32>
    %iota3A = tpu.iota {dimensions = array<i32: 1>} : vector<1024x16xi32>
    %broadcast_in_dim3A = vector.shape_cast %get3A_14 : vector<1024xi32> to vector<1024x1xi32>
    %eq3A = vector.broadcast %broadcast_in_dim3A : vector<1024x1xi32> to vector<1024x16xi32>
    %eq3A_24 = arith.cmpi eq, %iota3A, %eq3A : vector<1024x16xi32>
    %broadcast_in_dim3A_25 = vector.shape_cast %get3A_9 : vector<1024xf32> to vector<1024x1xf32>
    %mul3A = vector.broadcast %broadcast_in_dim3A_25 : vector<1024x1xf32> to vector<1024x16xf32>
    %mul3A_26 = arith.mulf %get3A_3, %mul3A : vector<1024x16xf32>
    %convert_element_type3A = arith.extui %eq3A_24 : vector<1024x16xi1> to vector<1024x16xi32>
    %convert_element_type3A_27 = arith.sitofp %convert_element_type3A : vector<1024x16xi32> to vector<1024x16xf32>
    %mul3A_28 = arith.mulf %get3A_9, %get3A_9 : vector<1024xf32>
    %broadcast_in_dim3A_29 = vector.shape_cast %mul3A_28 : vector<1024xf32> to vector<1024x1xf32>
    %mul3A_30 = vector.broadcast %broadcast_in_dim3A_29 : vector<1024x1xf32> to vector<1024x16xf32>
    %mul3A_31 = arith.mulf %convert_element_type3A_27, %mul3A_30 : vector<1024x16xf32>
    %add3A = arith.addf %mul3A_26, %mul3A_31 : vector<1024x16xf32>
    %dot_general3A_32 = arith.constant dense<0.000000e+00> : vector<1024x256xf32>
    %dot_general3A_33 = tpu.matmul %add3A, %dot_general3A_23, %dot_general3A_32 {dimension_numbers = #tpu.dot_dimension_numbers<[1], [0], [0], [1], [0, 0, 1, 1], [], []>, transpose_lhs_hint = false} : vector<1024x16xf32>, vector<16x256xf32>, vector<1024x256xf32> -> vector<1024x256xf32>
    %get3A_34 = arith.constant 0 : index
    %get3A_35 = arith.constant 0 : index
    %get3A_36 = arith.constant 0 : index
    %get3A_37 = vector.load %arg7[%get3A_34, %get3A_35, %get3A_36] : memref<1x1x256xf32, #tpu.memory_space<vmem>>, vector<1x1x256xf32>
    %get3A_38 = vector.shape_cast %get3A_37 : vector<1x1x256xf32> to vector<256xf32>
    %broadcast_in_dim3A_39 = vector.shape_cast %get3A_38 : vector<256xf32> to vector<1x256xf32>
    %add3A_40 = vector.broadcast %broadcast_in_dim3A_39 : vector<1x256xf32> to vector<1024x256xf32>
    %add3A_41 = arith.addf %dot_general3A_33, %add3A_40 : vector<1024x256xf32>
    %gt3A = arith.constant 0.000000e+00 : f32
    %gt3A_42 = vector.broadcast %gt3A : f32 to vector<1024x256xf32>
    %gt3A_43 = arith.cmpf ogt, %add3A_41, %gt3A_42 : vector<1024x256xf32>
    %exp3A = math.exp %add3A_41 : vector<1024x256xf32>
    %sub3A = arith.constant 1.000000e+00 : f32
    %sub3A_44 = vector.broadcast %sub3A : f32 to vector<1024x256xf32>
    %sub3A_45 = arith.subf %exp3A, %sub3A_44 : vector<1024x256xf32>
    %select_n3A = arith.select %gt3A_43, %add3A_41, %sub3A_45 : vector<1024x256xi1>, vector<1024x256xf32>
    %get3A_46 = arith.constant 0 : index
    %get3A_47 = arith.constant 0 : index
    %get3A_48 = arith.constant 0 : index
    %get3A_49 = vector.load %arg8[%get3A_46, %get3A_47, %get3A_48] : memref<1x256x128xf32, #tpu.memory_space<vmem>>, vector<1x256x128xf32>
    %get3A_50 = vector.shape_cast %get3A_49 : vector<1x256x128xf32> to vector<256x128xf32>
    %dot_general3A_51 = arith.constant dense<0.000000e+00> : vector<1024x128xf32>
    %dot_general3A_52 = tpu.matmul %select_n3A, %get3A_50, %dot_general3A_51 {dimension_numbers = #tpu.dot_dimension_numbers<[1], [0], [0], [1], [0, 0, 1, 1], [], []>, transpose_lhs_hint = false} : vector<1024x256xf32>, vector<256x128xf32>, vector<1024x128xf32> -> vector<1024x128xf32>
    %broadcast_in_dim3A_53 = vector.shape_cast %get3A_9 : vector<1024xf32> to vector<1024x1xf32>
    %mul3A_54 = vector.broadcast %broadcast_in_dim3A_53 : vector<1024x1xf32> to vector<1024x128xf32>
    %mul3A_55 = arith.mulf %dot_general3A_52, %mul3A_54 : vector<1024x128xf32>
    %swap3A = arith.constant 0 : index
    %swap3A_56 = arith.constant 0 : index
    %swap3A_57 = arith.constant 0 : index
    %swap3A_58 = vector.load %arg9[%swap3A, %swap3A_56, %swap3A_57] : memref<1x1024x128xf32, #tpu.memory_space<vmem>>, vector<1x1024x128xf32>
    %swap3A_59 = vector.shape_cast %swap3A_58 : vector<1x1024x128xf32> to vector<1024x128xf32>
    %swap3A_60 = vector.shape_cast %mul3A_55 : vector<1024x128xf32> to vector<1x1024x128xf32>
    tpu.vector_store %arg9[%swap3A, %swap3A_56, %swap3A_57], %swap3A_60 {strides = array<i32>} : memref<1x1024x128xf32, #tpu.memory_space<vmem>>, vector<1x1024x128xf32>,
    return
  }
  func.func @transform_0(%arg0: i32, %arg1: i32) -> (i32, i32, i32) {
    %c0_i32 = arith.constant 0 : i32
    %c0_i32_0 = arith.constant 0 : i32
    return %arg0, %arg1, %c0_i32 : i32, i32, i32
  }
  func.func @transform_1(%arg0: i32, %arg1: i32) -> (i32, i32, i32, i32) {
    %c0_i32 = arith.constant 0 : i32
    %c0_i32_0 = arith.constant 0 : i32
    %c0_i32_1 = arith.constant 0 : i32
    return %arg0, %arg1, %c0_i32, %c0_i32_0 : i32, i32, i32, i32
  }
  func.func @transform_2(%arg0: i32, %arg1: i32) -> (i32, i32, i32) {
    %c0_i32 = arith.constant 0 : i32
    %c0_i32_0 = arith.constant 0 : i32
    %c0_i32_1 = arith.constant 0 : i32
    return %arg1, %c0_i32, %c0_i32_0 : i32, i32, i32
  }
  func.func @transform_3(%arg0: i32, %arg1: i32) -> (i32, i32) {
    %c0_i32 = arith.constant 0 : i32
    %c0_i32_0 = arith.constant 0 : i32
    %c0_i32_1 = arith.constant 0 : i32
    return %c0_i32, %c0_i32_0 : i32, i32
  }
  func.func @transform_4(%arg0: i32, %arg1: i32) -> (i32, i32, i32) {
    %c0_i32 = arith.constant 0 : i32
    %c0_i32_0 = arith.constant 0 : i32
    %c0_i32_1 = arith.constant 0 : i32
    return %arg0, %c0_i32, %c0_i32_0 : i32, i32, i32
  }
  func.func @transform_5(%arg0: i32, %arg1: i32) -> (i32, i32, i32) {
    %c0_i32 = arith.constant 0 : i32
    %c0_i32_0 = arith.constant 0 : i32
    %c0_i32_1 = arith.constant 0 : i32
    return %arg0, %c0_i32, %c0_i32_0 : i32, i32, i32
  }
  func.func @transform_6(%arg0: i32, %arg1: i32) -> (i32, i32, i32) {
    %c0_i32 = arith.constant 0 : i32
    %c0_i32_0 = arith.constant 0 : i32
    %c0_i32_1 = arith.constant 0 : i32
    return %arg0, %c0_i32, %c0_i32_0 : i32, i32, i32
  }
  func.func @transform_7(%arg0: i32, %arg1: i32) -> (i32, i32, i32) {
    %c0_i32 = arith.constant 0 : i32
    %c0_i32_0 = arith.constant 0 : i32
    return %arg0, %arg1, %c0_i32 : i32, i32, i32
  }
}

module attributes {stable_mosaic.version = 14 : i64} {
  func.func @_tc2_body(%arg0: i32, %arg1: memref<2x1024x128xf32, #tpu.memory_space<vmem>>, %arg2: memref<2x1x1x1024xf32, #tpu.memory_space<vmem>>, %arg3: memref<2x128xf32, #tpu.memory_space<vmem>>, %arg4: memref<1x1x1024xi32, #tpu.memory_space<vmem>>, %arg5: memref<1024x256xf32, #tpu.memory_space<vmem>>, %arg6: memref<64x256xf32, #tpu.memory_space<vmem>>, %arg7: memref<64x256xf32, #tpu.memory_space<vmem>>, %arg8: memref<64x128xf32, #tpu.memory_space<vmem>>) attributes {dimension_semantics = [#tpu.dimension_semantics<arbitrary>], iteration_bounds = array<i64: 10>, scalar_prefetch = 0 : i64, scratch_operands = 2 : i64, tpu.core_type = #tpu.core_type<tc>, window_params = [{transform_indices = @transform_0, window_bounds = array<i64: 2, 1024, 128>}, {transform_indices = @transform_1, window_bounds = array<i64: 2, 1, 1, 1024>}, {pipeline_mode = #tpu.pipeline_mode<synchronous>, transform_indices = @transform_2, window_bounds = array<i64: 2, 128>}, {transform_indices = @transform_3, window_bounds = array<i64: 1, 1, 1024>}, {transform_indices = @transform_4, window_bounds = array<i64: 1024, 256>}, {pipeline_mode = #tpu.pipeline_mode<synchronous>, transform_indices = @transform_5, window_bounds = array<i64: 64, 256>}]} {
    %eq3A = arith.constant 0 : i32
    %eq3A_0 = arith.cmpi eq, %arg0, %eq3A : i32
    %convert_element_type3A = arith.extui %eq3A_0 : i1 to i32
    %cond3A = arith.constant 0 : i32
    %cond3A_1 = arith.cmpi ne, %convert_element_type3A, %cond3A : i32
    scf.if %cond3A_1 {
      %broadcast_in_dim3A_97 = arith.constant 0.000000e+00 : f32
      %broadcast_in_dim3A_98 = vector.broadcast %broadcast_in_dim3A_97 : f32 to vector<64x256xf32>
      %swap3A_99 = arith.constant 0 : index
      %swap3A_100 = arith.constant 0 : index
      %swap3A_101 = vector.load %arg7[%swap3A_99, %swap3A_100] : memref<64x256xf32, #tpu.memory_space<vmem>>, vector<64x256xf32>
      tpu.vector_store %arg7[%swap3A_99, %swap3A_100], %broadcast_in_dim3A_98 {strides = array<i32>} : memref<64x256xf32, #tpu.memory_space<vmem>>, vector<64x256xf32>,
      %broadcast_in_dim3A_102 = arith.constant 0.000000e+00 : f32
      %broadcast_in_dim3A_103 = vector.broadcast %broadcast_in_dim3A_102 : f32 to vector<64x128xf32>
      %swap3A_104 = arith.constant 0 : index
      %swap3A_105 = arith.constant 0 : index
      %swap3A_106 = vector.load %arg8[%swap3A_104, %swap3A_105] : memref<64x128xf32, #tpu.memory_space<vmem>>, vector<64x128xf32>
      tpu.vector_store %arg8[%swap3A_104, %swap3A_105], %broadcast_in_dim3A_103 {strides = array<i32>} : memref<64x128xf32, #tpu.memory_space<vmem>>, vector<64x128xf32>,
    } else {
    }
    %get3A = arith.constant 0 : index
    %get3A_2 = arith.constant 0 : index
    %get3A_3 = arith.constant 0 : index
    %get3A_4 = vector.load %arg1[%get3A, %get3A_2, %get3A_3] : memref<2x1024x128xf32, #tpu.memory_space<vmem>>, vector<1x1024x128xf32>
    %get3A_5 = vector.shape_cast %get3A_4 : vector<1x1024x128xf32> to vector<1024x128xf32>
    %get3A_6 = arith.constant 0 : index
    %get3A_7 = arith.constant 0 : index
    %get3A_8 = arith.constant 0 : index
    %get3A_9 = arith.constant 0 : index
    %get3A_10 = vector.load %arg2[%get3A_6, %get3A_7, %get3A_8, %get3A_9] : memref<2x1x1x1024xf32, #tpu.memory_space<vmem>>, vector<1x1x1x1024xf32>
    %get3A_11 = vector.shape_cast %get3A_10 : vector<1x1x1x1024xf32> to vector<1024xf32>
    %broadcast_in_dim3A = vector.shape_cast %get3A_11 : vector<1024xf32> to vector<1024x1xf32>
    %mul3A = vector.broadcast %broadcast_in_dim3A : vector<1024x1xf32> to vector<1024x128xf32>
    %mul3A_12 = arith.mulf %get3A_5, %mul3A : vector<1024x128xf32>
    %get3A_13 = arith.constant 0 : index
    %get3A_14 = arith.constant 0 : index
    %get3A_15 = vector.load %arg3[%get3A_13, %get3A_14] : memref<2x128xf32, #tpu.memory_space<vmem>>, vector<1x128xf32>
    %get3A_16 = vector.shape_cast %get3A_15 : vector<1x128xf32> to vector<128xf32>
    %broadcast_in_dim3A_17 = vector.shape_cast %get3A_16 : vector<128xf32> to vector<1x128xf32>
    %add3A = vector.broadcast %broadcast_in_dim3A_17 : vector<1x128xf32> to vector<1024x128xf32>
    %add3A_18 = arith.addf %mul3A_12, %add3A : vector<1024x128xf32>
    %gt3A = arith.constant 0.000000e+00 : f32
    %gt3A_19 = vector.broadcast %gt3A : f32 to vector<1024x128xf32>
    %gt3A_20 = arith.cmpf ogt, %add3A_18, %gt3A_19 : vector<1024x128xf32>
    %exp3A = math.exp %add3A_18 : vector<1024x128xf32>
    %sub3A = arith.constant 1.000000e+00 : f32
    %sub3A_21 = vector.broadcast %sub3A : f32 to vector<1024x128xf32>
    %sub3A_22 = arith.subf %exp3A, %sub3A_21 : vector<1024x128xf32>
    %select_n3A = arith.select %gt3A_20, %add3A_18, %sub3A_22 : vector<1024x128xi1>, vector<1024x128xf32>
    %get3A_23 = arith.constant 1 : index
    %get3A_24 = arith.constant 0 : index
    %get3A_25 = arith.constant 0 : index
    %get3A_26 = vector.load %arg1[%get3A_23, %get3A_24, %get3A_25] : memref<2x1024x128xf32, #tpu.memory_space<vmem>>, vector<1x1024x128xf32>
    %get3A_27 = vector.shape_cast %get3A_26 : vector<1x1024x128xf32> to vector<1024x128xf32>
    %get3A_28 = arith.constant 1 : index
    %get3A_29 = arith.constant 0 : index
    %get3A_30 = arith.constant 0 : index
    %get3A_31 = arith.constant 0 : index
    %get3A_32 = vector.load %arg2[%get3A_28, %get3A_29, %get3A_30, %get3A_31] : memref<2x1x1x1024xf32, #tpu.memory_space<vmem>>, vector<1x1x1x1024xf32>
    %get3A_33 = vector.shape_cast %get3A_32 : vector<1x1x1x1024xf32> to vector<1024xf32>
    %broadcast_in_dim3A_34 = vector.shape_cast %get3A_33 : vector<1024xf32> to vector<1024x1xf32>
    %mul3A_35 = vector.broadcast %broadcast_in_dim3A_34 : vector<1024x1xf32> to vector<1024x128xf32>
    %mul3A_36 = arith.mulf %get3A_27, %mul3A_35 : vector<1024x128xf32>
    %get3A_37 = arith.constant 1 : index
    %get3A_38 = arith.constant 0 : index
    %get3A_39 = vector.load %arg3[%get3A_37, %get3A_38] : memref<2x128xf32, #tpu.memory_space<vmem>>, vector<1x128xf32>
    %get3A_40 = vector.shape_cast %get3A_39 : vector<1x128xf32> to vector<128xf32>
    %broadcast_in_dim3A_41 = vector.shape_cast %get3A_40 : vector<128xf32> to vector<1x128xf32>
    %add3A_42 = vector.broadcast %broadcast_in_dim3A_41 : vector<1x128xf32> to vector<1024x128xf32>
    %add3A_43 = arith.addf %mul3A_36, %add3A_42 : vector<1024x128xf32>
    %gt3A_44 = arith.constant 0.000000e+00 : f32
    %gt3A_45 = vector.broadcast %gt3A_44 : f32 to vector<1024x128xf32>
    %gt3A_46 = arith.cmpf ogt, %add3A_43, %gt3A_45 : vector<1024x128xf32>
    %exp3A_47 = math.exp %add3A_43 : vector<1024x128xf32>
    %sub3A_48 = arith.constant 1.000000e+00 : f32
    %sub3A_49 = vector.broadcast %sub3A_48 : f32 to vector<1024x128xf32>
    %sub3A_50 = arith.subf %exp3A_47, %sub3A_49 : vector<1024x128xf32>
    %select_n3A_51 = arith.select %gt3A_46, %add3A_43, %sub3A_50 : vector<1024x128xi1>, vector<1024x128xf32>
    %concatenate3A = tpu.concatenate %select_n3A, %select_n3A_51 in 1 : vector<1024x128xf32>, vector<1024x128xf32> -> vector<1024x256xf32>
    %swap3A = arith.constant 0 : index
    %swap3A_52 = arith.constant 0 : index
    %swap3A_53 = vector.load %arg5[%swap3A, %swap3A_52] : memref<1024x256xf32, #tpu.memory_space<vmem>>, vector<1024x256xf32>
    tpu.vector_store %arg5[%swap3A, %swap3A_52], %concatenate3A {strides = array<i32>} : memref<1024x256xf32, #tpu.memory_space<vmem>>, vector<1024x256xf32>,
    %mul3A_54 = arith.constant 1024 : i32
    %mul3A_55 = arith.muli %arg0, %mul3A_54 : i32
    %iota3A = tpu.iota {dimensions = array<i32: 1>} : vector<1x1024xi32>
    %squeeze3A = vector.shape_cast %iota3A : vector<1x1024xi32> to vector<1024xi32>
    %add3A_56 = vector.broadcast %mul3A_55 : i32 to vector<1024xi32>
    %add3A_57 = arith.addi %add3A_56, %squeeze3A : vector<1024xi32>
    %lt3A = arith.constant 10000 : i32
    %lt3A_58 = vector.broadcast %lt3A : i32 to vector<1024xi32>
    %lt3A_59 = arith.cmpi slt, %add3A_57, %lt3A_58 : vector<1024xi32>
    %get3A_60 = arith.constant 0 : index
    %get3A_61 = arith.constant 0 : index
    %get3A_62 = arith.constant 0 : index
    %get3A_63 = vector.load %arg4[%get3A_60, %get3A_61, %get3A_62] : memref<1x1x1024xi32, #tpu.memory_space<vmem>>, vector<1x1x1024xi32>
    %get3A_64 = vector.shape_cast %get3A_63 : vector<1x1x1024xi32> to vector<1024xi32>
    %iota3A_65 = tpu.iota {dimensions = array<i32: 0>} : vector<64x1024xi32>
    %broadcast_in_dim3A_66 = vector.shape_cast %get3A_64 : vector<1024xi32> to vector<1x1024xi32>
    %eq3A_67 = vector.broadcast %broadcast_in_dim3A_66 : vector<1x1024xi32> to vector<64x1024xi32>
    %eq3A_68 = arith.cmpi eq, %iota3A_65, %eq3A_67 : vector<64x1024xi32>
    %broadcast_in_dim3A_69 = vector.shape_cast %lt3A_59 : vector<1024xi1> to vector<1x1024xi1>
    %and3A = vector.broadcast %broadcast_in_dim3A_69 : vector<1x1024xi1> to vector<64x1024xi1>
    %and3A_70 = arith.andi %eq3A_68, %and3A : vector<64x1024xi1>
    %convert_element_type3A_71 = arith.extui %and3A_70 : vector<64x1024xi1> to vector<64x1024xi32>
    %convert_element_type3A_72 = arith.sitofp %convert_element_type3A_71 : vector<64x1024xi32> to vector<64x1024xf32>
    %get3A_73 = arith.constant 0 : index
    %get3A_74 = arith.constant 0 : index
    %get3A_75 = vector.load %arg7[%get3A_73, %get3A_74] : memref<64x256xf32, #tpu.memory_space<vmem>>, vector<64x256xf32>
    %dot_general3A = arith.constant dense<0.000000e+00> : vector<64x256xf32>
    %dot_general3A_76 = tpu.matmul %convert_element_type3A_72, %concatenate3A, %dot_general3A {dimension_numbers = #tpu.dot_dimension_numbers<[1], [0], [0], [1], [0, 0, 1, 1], [], []>, transpose_lhs_hint = false} : vector<64x1024xf32>, vector<1024x256xf32>, vector<64x256xf32> -> vector<64x256xf32>
    %add3A_77 = arith.addf %get3A_75, %dot_general3A_76 : vector<64x256xf32>
    %get3A_78 = arith.constant 0 : index
    %get3A_79 = arith.constant 0 : index
    %get3A_80 = vector.load %arg8[%get3A_78, %get3A_79] : memref<64x128xf32, #tpu.memory_space<vmem>>, vector<64x128xf32>
    %broadcast_in_dim3A_81 = arith.constant 1.000000e+00 : f32
    %broadcast_in_dim3A_82 = vector.broadcast %broadcast_in_dim3A_81 : f32 to vector<1024x128xf32>
    %dot_general3A_83 = arith.constant dense<0.000000e+00> : vector<64x128xf32>
    %dot_general3A_84 = tpu.matmul %convert_element_type3A_72, %broadcast_in_dim3A_82, %dot_general3A_83 {dimension_numbers = #tpu.dot_dimension_numbers<[1], [0], [0], [1], [0, 0, 1, 1], [], []>, transpose_lhs_hint = false} : vector<64x1024xf32>, vector<1024x128xf32>, vector<64x128xf32> -> vector<64x128xf32>
    %add3A_85 = arith.addf %get3A_80, %dot_general3A_84 : vector<64x128xf32>
    %swap3A_86 = arith.constant 0 : index
    %swap3A_87 = arith.constant 0 : index
    %swap3A_88 = vector.load %arg7[%swap3A_86, %swap3A_87] : memref<64x256xf32, #tpu.memory_space<vmem>>, vector<64x256xf32>
    tpu.vector_store %arg7[%swap3A_86, %swap3A_87], %add3A_77 {strides = array<i32>} : memref<64x256xf32, #tpu.memory_space<vmem>>, vector<64x256xf32>,
    %swap3A_89 = arith.constant 0 : index
    %swap3A_90 = arith.constant 0 : index
    %swap3A_91 = vector.load %arg8[%swap3A_89, %swap3A_90] : memref<64x128xf32, #tpu.memory_space<vmem>>, vector<64x128xf32>
    tpu.vector_store %arg8[%swap3A_89, %swap3A_90], %add3A_85 {strides = array<i32>} : memref<64x128xf32, #tpu.memory_space<vmem>>, vector<64x128xf32>,
    %eq3A_92 = arith.constant 9 : i32
    %eq3A_93 = arith.cmpi eq, %arg0, %eq3A_92 : i32
    %convert_element_type3A_94 = arith.extui %eq3A_93 : i1 to i32
    %cond3A_95 = arith.constant 0 : i32
    %cond3A_96 = arith.cmpi ne, %convert_element_type3A_94, %cond3A_95 : i32
    scf.if %cond3A_96 {
      %slice3A = vector.extract_strided_slice %add3A_85 {offsets = [0, 0], sizes = [64, 1], strides = [1, 1]} : vector<64x128xf32> to vector<64x1xf32>
      %max3A = arith.constant 1.000000e+00 : f32
      %max3A_97 = vector.broadcast %max3A : f32 to vector<64x1xf32>
      %max3A_98 = arith.maximumf %slice3A, %max3A_97 : vector<64x1xf32>
      %div3A = vector.broadcast %max3A_98 : vector<64x1xf32> to vector<64x256xf32>
      %div3A_99 = arith.divf %add3A_77, %div3A : vector<64x256xf32>
      %swap3A_100 = arith.constant 0 : index
      %swap3A_101 = arith.constant 0 : index
      %swap3A_102 = vector.load %arg6[%swap3A_100, %swap3A_101] : memref<64x256xf32, #tpu.memory_space<vmem>>, vector<64x256xf32>
      tpu.vector_store %arg6[%swap3A_100, %swap3A_101], %div3A_99 {strides = array<i32>} : memref<64x256xf32, #tpu.memory_space<vmem>>, vector<64x256xf32>,
    } else {
    }
    return
  }
  func.func @transform_0(%arg0: i32) -> (i32, i32, i32) {
    %c0_i32 = arith.constant 0 : i32
    %c0_i32_0 = arith.constant 0 : i32
    %c0_i32_1 = arith.constant 0 : i32
    return %c0_i32, %arg0, %c0_i32_0 : i32, i32, i32
  }
  func.func @transform_1(%arg0: i32) -> (i32, i32, i32, i32) {
    %c0_i32 = arith.constant 0 : i32
    %c0_i32_0 = arith.constant 0 : i32
    %c0_i32_1 = arith.constant 0 : i32
    %c0_i32_2 = arith.constant 0 : i32
    return %c0_i32, %arg0, %c0_i32_0, %c0_i32_1 : i32, i32, i32, i32
  }
  func.func @transform_2(%arg0: i32) -> (i32, i32) {
    %c0_i32 = arith.constant 0 : i32
    %c0_i32_0 = arith.constant 0 : i32
    %c0_i32_1 = arith.constant 0 : i32
    return %c0_i32, %c0_i32_0 : i32, i32
  }
  func.func @transform_3(%arg0: i32) -> (i32, i32, i32) {
    %c0_i32 = arith.constant 0 : i32
    %c0_i32_0 = arith.constant 0 : i32
    %c0_i32_1 = arith.constant 0 : i32
    return %arg0, %c0_i32, %c0_i32_0 : i32, i32, i32
  }
  func.func @transform_4(%arg0: i32) -> (i32, i32) {
    %c0_i32 = arith.constant 0 : i32
    %c0_i32_0 = arith.constant 0 : i32
    return %arg0, %c0_i32 : i32, i32
  }
  func.func @transform_5(%arg0: i32) -> (i32, i32) {
    %c0_i32 = arith.constant 0 : i32
    %c0_i32_0 = arith.constant 0 : i32
    %c0_i32_1 = arith.constant 0 : i32
    return %c0_i32, %c0_i32_0 : i32, i32
  }
}

</mosaic_0001>

<sc_bundles>
// kernel: kernel.6.cloned.1.call-start
scs
__scs_entry_jumppad:
0x0: {  	(pc) =	sbr.rel $0x88, $3  }
0x1: {  	(tag) =	ssettag $0x0;
	lr =	simm.s32 $0x1  }
0x2: {  	[smem:$0x3F94] =	sst lr;
	_ =	strace $0xD0000000  }
0x3: {  	_ = 	snop  }
0x4: {  	_ = 	snop  }
0x5: {  	_ = 	snop  }
0x6: {  	_ = 	snop  }
0x7: {  	_ = 	snop  }
__scs_overlays_trampoline_lowered:
0x8: {  	[smem:$0x3FA3] =	sst s0  }
0x9: {  	[smem:$0x3FA4] =	sst s1  }
0xa: {  	[smem:$0x3FA5] =	sst s2  }
0xb: {  	[smem:$0x3FA6] =	sst s3  }
0xc: {  	[smem:$0x3FA7] =	sst s4  }
0xd: {  	[smem:$0x3FA8] =	sst s5  }
0xe: {  	[smem:$0x3FA9] =	sst s6  }
0xf: {  	[smem:$0x3FAA] =	sst s7  }
0x10: {  	[smem:$0x3FAB] =	sst s8  }
0x11: {  	[smem:$0x3FAC] =	sst s9;
	s0 =	simm.s32 @!p0 $0x0  }
0x12: {  	s1 =	sld [smem:$0x3F92];
	s0 =	simm.s32 @p0 $0x1  }
0x13: {  	[smem:$0x3FAD] =	sst s0;
	s0 =	simm.s32 @!p1 $0x0  }
0x14: {  	s2 =	sld [smem:$0x3F91];
	s0 =	simm.s32 @p1 $0x1  }
0x15: {  	[smem:$0x3FAE] =	sst s0;
	s0 =	simm.s32 @!p2 $0x0  }
0x16: {  	s3 =	sld [smem:$0x3FDB];
	s0 =	simm.s32 @p2 $0x1  }
0x17: {  	s4 =	simm.s32 $0x1BF5;
	[smem:$0x3FB0] =	sst s0  }
0x18: {  	s0 =	sld [smem:$0x3F93];
	_ =	swait.ge [sflag:s4], $0x0  }
0x19: {  	s7 =	sld [smem:$0x3F94]  }
0x1a: {  	s8 =	sadd.s32 $0xFFFFE003, lr  }
0x1b: {  	s9 =	sadd.s32 $0xFFFFFEF7, lr;
	s5 =	simm.s32 $0xFFFFFFFF;
	p2 =	slt.u32 s8, $0xFFFFF086  }
0x1c: {  	p1 =	slt.u32 s9, $0xF7A;
	s5 =	simm.s32 @!p2 $0x0  }
0x1d: {  	s5 =	simm.s32 @p1 $0x1;
	p0 =	seq.s32 s7, s2  }
0x1e: {  	s7 =	smul.u32 @!p0 $0xF7A, s2;
	p2 =	seq.s32 @!p0 s5, $0x0  }
0x1f: {  	s9 =	smul.u32 $0xF7A, s1;
	s8 =	simm.s32 @!p0 $0x1BF5;
	p2 =	por !p2, p0  }
0x20: {  	[sflag:s8] =	ssyncset.s32 @!p0 $0xFFFFF086;
	s6 =	sadd.s32 @!p0 s3, s7;
	s7 =	simm.s32 @!p0 $0x108  }
0x21: {  	s3 =	sadd.s32 s3, s9;
	s6 =	sadd.s32 @!p0 $0x88, s6;
	s7 =	simm.s32 @p2 $0x1082  }
0x22: {  	[simem:s7], [sflag:s8] =	dma.local @!p0 [hbm:s6], $0xF7A  }
0x23: {  	s9 =	sor.u32 $0xD0000000, s2;
	s6 =	simm.s32 $0x108;
	_ =	swait.ge @!p0 [sflag:s8], $0x0  }
0x24: {  	s3 =	sadd.s32 $0x88, s3;
	s6 =	simm.s32 @!p1 $0x1082;
	[sflag:s4] =	ssyncset.s32 $0xFFFFF086  }
0x25: {  	[simem:s6], [sflag:s4] =	dma.local [hbm:s3], $0xF7A  }
0x26: {  	[smem:$0x3F94] =	sst s1;
	(tag) =	ssettag s2;
	_ =	strace s9  }
0x27: {  	s1 =	sld [smem:$0x3FA4]  }
0x28: {  	s2 =	sld [smem:$0x3FA5]  }
0x29: {  	s4 =	sld [smem:$0x3FA7]  }
0x2a: {  	p0 =	seq.s32 s5, $0x0;
	s5 =	sld [smem:$0x3FA8]  }
0x2b: {  	s6 =	sld [smem:$0x3FA9]  }
0x2c: {  	s7 =	sld [smem:$0x3FAA]  }
0x2d: {  	s3 =	simm.s32 $0x108;
	s8 =	sld [smem:$0x3FAB]  }
0x2e: {  	s3 =	simm.s32 @!p0 $0x1082;
	s9 =	sld [smem:$0x3FAC]  }
0x2f: {  	lr =	sadd.s32 s0, s3;
	s0 =	sld [smem:$0x3FA3]  }
0x30: {  	s3 =	sld [smem:$0x3FA6]  }
0x31: {  	[smem:$0x3FAF] =	sst s10  }
0x32: {  	s10 =	sld [smem:$0x3FAD];
	_ =	sdelay $0x3  }
0x33: {  	p0 =	seq.s32 s10, $0x1;
	s10 =	sld [smem:$0x3FAF];
	_ =	sdelay $0x3  }
0x34: {  	[smem:$0x3FAF] =	sst s10  }
0x35: {  	s10 =	sld [smem:$0x3FAE];
	_ =	sdelay $0x3  }
0x36: {  	p1 =	seq.s32 s10, $0x1;
	s10 =	sld [smem:$0x3FAF];
	_ =	sdelay $0x3  }
0x37: {  	[smem:$0x3FAF] =	sst s10  }
0x38: {  	s10 =	sld [smem:$0x3FB0]  }
0x39: {  	_ = 	snop;
	(pc) =	sbr.ind lr, $3  }
0x3a: {  	_ = 	snop  }
0x3b: {  	_ = 	snop  }
0x3c: {  	p2 =	seq.s32 s10, $0x1;
	s10 =	sld [smem:$0x3FAF]  }
0x3d: {  	_ =	shalt  }
0x3e: {  	_ =	shalt  }
0x3f: {  	_ =	shalt  }
0x40: {  	_ =	shalt  }
0x41: {  	_ =	shalt  }
0x42: {  	_ =	shalt  }
0x43: {  	_ =	shalt  }
0x44: {  	_ =	shalt  }
0x45: {  	_ =	shalt  }
0x46: {  	_ =	shalt  }
0x47: {  	_ =	shalt  }
0x48: {  	_ =	shalt  }
0x49: {  	_ =	shalt  }
0x4a: {  	_ =	shalt  }
0x4b: {  	_ =	shalt  }
0x4c: {  	_ =	shalt  }
0x4d: {  	_ =	shalt  }
0x4e: {  	_ =	shalt  }
0x4f: {  	_ =	shalt  }
0x50: {  	_ =	shalt  }
0x51: {  	_ =	shalt  }
0x52: {  	_ =	shalt  }
0x53: {  	_ =	shalt  }
0x54: {  	_ =	shalt  }
0x55: {  	_ =	shalt  }
0x56: {  	_ =	shalt  }
0x57: {  	_ =	shalt  }
0x58: {  	_ =	shalt  }
0x59: {  	_ =	shalt  }
0x5a: {  	_ =	shalt  }
0x5b: {  	_ =	shalt  }
0x5c: {  	_ =	shalt  }
0x5d: {  	_ =	shalt  }
0x5e: {  	_ =	shalt  }
0x5f: {  	_ =	shalt  }
0x60: {  	_ =	shalt  }
0x61: {  	_ =	shalt  }
0x62: {  	_ =	shalt  }
0x63: {  	_ =	shalt  }
0x64: {  	_ =	shalt  }
0x65: {  	_ =	shalt  }
0x66: {  	_ =	shalt  }
0x67: {  	_ =	shalt  }
0x68: {  	_ =	shalt  }
0x69: {  	_ =	shalt  }
0x6a: {  	_ =	shalt  }
0x6b: {  	_ =	shalt  }
0x6c: {  	_ =	shalt  }
0x6d: {  	_ =	shalt  }
0x6e: {  	_ =	shalt  }
0x6f: {  	_ =	shalt  }
0x70: {  	_ =	shalt  }
0x71: {  	_ =	shalt  }
0x72: {  	_ =	shalt  }
0x73: {  	_ =	shalt  }
0x74: {  	_ =	shalt  }
0x75: {  	_ =	shalt  }
0x76: {  	_ =	shalt  }
0x77: {  	_ =	shalt  }
0x78: {  	_ =	shalt  }
0x79: {  	_ =	shalt  }
0x7a: {  	_ =	shalt  }
0x7b: {  	_ =	shalt  }
0x7c: {  	_ =	shalt  }
0x7d: {  	_ =	shalt  }
0x7e: {  	_ =	shalt  }
0x7f: {  	_ =	shalt  }
0x80: {  	_ =	shalt  }
0x81: {  	_ =	shalt  }
0x82: {  	_ =	shalt  }
0x83: {  	_ =	shalt  }
0x84: {  	_ =	shalt  }
0x85: {  	_ =	shalt  }
0x86: {  	_ =	shalt  }
0x87: {  	_ =	shalt  }
.Lfunc_end0:
.L_simem_size_0:
called_computation_lowered:
.L_overlay_start_0:
0x88: {  	s2 =	sld [smem:$0x3FD9]  }
0x89: {  	s3 =	sld [smem:$0x3FFE];
	_ =	sdelay $0x1  }
0x8a: {  	s1 =	srdreg.scid  }
0x8b: {  	s0 =	sand.u32 $0x1, s1  }
0x8c: {  	s14 =	sshll.u32 s0, $0xA;
	s2 =	sadd.s32 s3, s2  }
0x8d: {  	s2 =	sadd.s32 s2, s14  }
0x8e: {  	[smem:$0x3FBB] =	sst s2  }
0x8f: {  	_ = 	snop  }
0x90: {  	s2 =	sld [smem:$0x3FD0];
	_ =	sdelay $0x2  }
0x91: {  	s15 =	simm.s32 $0xA;
	s4 =	simm.s32 $0x10  }
0x92: {  	[smem:s4], [sflag:s15] =	dma.local [hbm:s2], $0x1  }
0x93: {  	_ =	swait.eq [sflag:s15], $0x1  }
0x94: {  	[sflag:s15] =	ssyncset.done $0x0  }
0x95: {  	s16 =	sld [smem:$0x10];
	[sflag:s15] =	ssyncadd.s32 $0xFFFFFFFF  }
0x96: {  	s17 =	sld [smem:$0x11];
	(tm) =	ssettm $0x1  }
0x97: {  	s18 =	sld [smem:$0x3FFB];
	_ =	sdelay $0x3  }
0x98: {  	_ =	strace s18  }
0x99: {  	s4 =	sld [smem:$0x3FFC];
	_ =	sdelay $0x3  }
0x9a: {  	_ =	strace s4  }
0x9b: {  	s4 =	sld [smem:$0x3FFD];
	_ =	sdelay $0x3  }
0x9c: {  	_ =	strace s4  }
0x9d: {  	_ =	strace $0x8FFFFFFF  }
0x9e: {  	s19 =	sld [smem:$0x3FDB];
	_ =	sdelay $0x1  }
0x9f: {  	s5 =	simm.s32 $_scs_section_size  }
0xa0: {  	s6 =	simm.s32 $_size__tile_overlayer_lowered;
	s7 =	simm.s32 $_tile_overlayer_lowered  }
0xa1: {  	s22 =	simm.s32 $0x1BFF;
	s21 =	sshll.u32 s7, $0x1;
	s4 =	sadd.s32 s5, s19  }
0xa2: {  	s8 =	simm.s32 $0x0;
	s20 =	sshll.u32 s6, $0x1;
	s6 =	sadd.s32 s21, s4  }
0xa3: {  	[timem:s8], [sflag:s22] =	dma.local [hbm:s6], s20  }
0xa4: {  	_ =	swait.ge [sflag:s22], s20  }
0xa5: {  	s5 =	ssub.s32 $0x0, s20;
	[sflag:s22] =	ssyncset.done $0x0  }
0xa6: {  	[sflag:s22] =	ssyncadd.s32 s5;
	_ =	sdelay $0x1  }
0xa7: {  	s23 =	simm.s32 $0x1B8B  }
0xa8: {  	_ =	swait.ge [sflag:s23], $0x1  }
0xa9: {  	[sflag:s23] =	ssyncset.done $0x0  }
0xaa: {  	s25 =	simm.s32 $0x1B8E;
	s24 =	sld [smem:$0x3FFE];
	[sflag:s23] =	ssyncadd.s32 $0xFFFFFFFF  }
0xab: {  	s26 =	simm.s32 $execute0_lowered;
	[smem:$0x3FD2] =	sst s25  }
0xac: {  	s6 =	sshll.u32 s26, $0x1;
	_ =	strace $0x80000046;
	[dreg:$0x1] =	wrdreg $0xFFFFFFFF  }
0xad: {  	s28 =	simm.s32 $_size_execute0_lowered;
	s4 =	sadd.s32 s4, s6;
	[dreg:$0x0] =	wrdreg $0x0  }
0xae: {  	s6 =	sshll.u32 s28, $0x1;
	[dreg:$0x2] =	wrdreg s4  }
0xaf: {  	[dreg:$0x3] =	wrdreg s6  }
0xb0: {  	[dreg:$0x4] =	wrdreg $0xC0  }
0xb1: {  	_ =	task [dreg:s8], $0x5FFFF  }
0xb2: {  	[dreg:$0x1] =	wrdreg $0xFFFFFFFF  }
0xb3: {  	[dreg:$0x0] =	wrdreg $0x60  }
0xb4: {  	[dreg:$0x2] =	wrdreg s17  }
0xb5: {  	[dreg:$0x3] =	wrdreg s24  }
0xb6: {  	[dreg:$0x4] =	wrdreg s16  }
0xb7: {  	[dreg:$0x5] =	wrdreg $0x0  }
0xb8: {  	[dreg:$0x6] =	wrdreg $0x28000  }
0xb9: {  	[dreg:$0x7] =	wrdreg $0x2A800  }
0xba: {  	[dreg:$0x8] =	wrdreg $0x9  }
0xbb: {  	_ =	task.clear_ibuf [dreg:s8], $0x9FFFF;
	_ =	strace $0x90000046  }
0xbc: {  	s29 =	simm.s32 $0x9;
	_ =	strace $0x80000048  }
0xbd: {  	_ =	swait.ge [sflag:s29], $0x1  }
0xbe: {  	[sflag:s29] =	ssyncadd.s32 $0xFFFFFFFF  }
0xbf: {  	_ =	strace $0x90000048  }
0xc0: {  	_ =	sfence  }
0xc1: {  	s30 =	sld [smem:$0x0];
	_ =	sdelay $0x2  }
0xc2: {  	s31 =	sshll.u32 s1, $0xD;
	s1 =	sshrl.u32 s1, $0x2  }
0xc3: {  	s3 =	sand.u32 $0x4000, s31;
	s1 =	sadd.s32 s1, s30  }
0xc4: {  	s0 =	sor.u32 s3, s0;
	s1 =	sshll.u32 s1, $0x11  }
0xc5: {  	s0 =	sor.u32 s1, s0  }
0xc6: {  	s0 =	sadd.s32 $0x8F2B, s0  }
0xc7: {  	[sflag:s0] =	ssyncadd.remote.s32 $0x1  }
0xc8: {  	_ =	sfence.sel $0xFFFF  }
0xc9: {  	[dreg:$0x0] =	wrdreg $0xFFFFFFFF;
	(pc) =	sbr.abs _section_cstart, $3  }
0xca: {  	[dreg:$0x1] =	wrdreg $0xFFFFFFFF  }
0xcb: {  	_ =	task.clear_ibuf [dreg:s8], $0x2FFFF;
	_ =	strace $0x9FFFFFFF  }
0xcc: {  	(tm) =	ssettm $0x7FFFFFFF  }
0xcd: {  	_ =	shalt  }
tec
execute0_lowered:
.L_overlay_start_1:
0x0: {  	(tag) =	ssettag $0x1  }
0x1: {  	s0 =	rddreg [dreg:$0x0]  }
0x2: {  	s1 =	rddreg [dreg:$0x1]  }
0x3: {  	s2 =	rddreg [dreg:$0x3]  }
0x4: {  	s4 =	rddreg [dreg:$0x4]  }
0x5: {  	s16 =	rddreg [dreg:$0x5]  }
0x6: {  	s3 =	srdreg.scid;
	s14 =	stileid.u32  }
0x7: {  	s6 =	simm.s32 $0x0;
	s17 =	simm.s32 $0x2;
	s18 =	simm.s32 $0x80  }
0x8: {  	s19 =	simm.s32 $0x400;
	s29 =	simm.s32 $0x7D00;
	s5 =	smul.u32 $0x5000, s14  }
0x9: {  	s30 =	simm.s32 $0x19B00;
	s31 =	simm.s32 $0x19B80;
	s8 =	smul.u32 $0x500, s14  }
0xa: {  	s20 =	simm.s32 $0x19A80;
	s3 =	sand.u32 $0x1, s3;
	s21 =	smul.u32 $0xA000, s14  }
0xb: {  	[smem:$0x7FF] =	sst s6;
	s11 =	sadd.s32 $0x3000, s1;
	s12 =	smul.u32 $0x280, s14  }
0xc: {  	s13 =	sshrl.u32 s14, $0x3;
	s25 =	sshll.u32 s14, $0x7;
	s7 =	sshll.u32 s3, $0x7  }
0xd: {  	_ =	strace $0x80000047;
	s22 =	ssub.s32 $0x2, s3;
	s3 =	smul.u32 $0xA0000, s3  }
0xe: {  	s24 =	smul.u32 $0x28000, s13;
	s13 =	sand.u32 $0x380, s25;
	s9 =	sor.u32 s7, s5  }
0xf: {  	s7 =	sor.u32 s7, s8;
	s10 =	sshrl.u32 s22, $0x1;
	s23 =	sshrl.u32 s21, $0x2  }
0x10: {  	s8 =	sadd.s32 s12, s4;
	s12 =	sadd.s32 s12, s16;
	s9 =	sshrl.u32 s9, $0x3  }
0x11: {  	s7 =	sshrl.u32 s7, $0x3;
	s15 =	ssub.s32 s22, s10;
	s26 =	sadd.s32 $0x50000, s3  }
0x12: {  	s3 =	sadd.s32 s3, s24;
	s22 =	simm.s32 $0x5500;
	s9 =	sadd.s32 s9, s1  }
0x13: {  	s1 =	sadd.s32 s7, s1;
	s7 =	sadd.s32 s23, s2;
	s5 =	sadd.s32 s5, s26  }
0x14: {  	s3 =	sor.u32 s13, s3;
	s10 =	sadd.s32 s24, s26;
	s15 =	smax.u32 s15, $0x1  }
.Ltmp0:
0x15: {  	s23 =	simm.s32 $0x19C00;
	s24 =	simm.s32 $0x1;
	(pc) =	sbr.rel .LBB2_1-.Ltmp0, $4  }
0x16: {  	s26 =	simm.s32 $0xA780;
	s5 =	sshrl.u32 s5, $0x3;
	s3 =	sshrl.u32 s3, $0x3  }
0x17: {  	s13 =	sor.u32 s13, s10;
	s14 =	sadd.s32 $0x2BA00, s9;
	s0 =	sadd.s32 s0, s5  }
0x18: {  	s10 =	sadd.s32 s11, s3;
	s28 =	sshrl.u32 s13, $0x3;
	s13 =	sadd.s32 $0x2B000, s1  }
0x19: {  	v0 =	vimm.f32 $0.0e+00;
	v1 =	vimm.f32 $1.000000000e+00;
	s5 =	simm.s32 $0x19A00;
	[dreg:$0x7] =	wrdreg s0;
	s11 =	sadd.s32 s11, s28  }
.LBB2_12:
0x1a: {  	_ =	swait.ge [sflag:s24], $0x80  }
0x1b: {  	[sflag:s24] =	ssyncset.done $0x0  }
0x1c: {  	s0 =	stileid.u32;
	[sflag:s24] =	ssyncadd.s32 $0xFFFFFF80  }
0x1d: {  	s1 =	sshrl.u32 s7, $0x3;
	s3 =	simm.s32 $0x20;
	_ =	swait.ge [sflag:s24], $0x80  }
0x1e: {  	s9 =	simm.s32 $0x10;
	s6 =	sadd.s32 $0x1, s6;
	[sflag:s24] =	ssyncset.done $0x0  }
0x1f: {  	s0 =	sshll.u32 s0, $0x6;
	p0 =	sne.s32 s6, s15;
	[sflag:s24] =	ssyncadd.s32 $0xFFFFFF80  }
.Ltmp1:
0x20: {  	s0 =	sor.u32 $0x1C02, s0;
	[bflag:$0x0] =	sbarrier.arrive $0xFFFF;
	(pc) =	sbr.rel @!p0 .LBB2_13-.Ltmp1, $4  }
0x21: {  	[hbm:s14@s3], [sflag:s0] =	dma.strided [spmem:s1@s9], $0x500, s24, $0x10   }
0x22: {  	_ =	swait.ge [sflag:s17], $0x500  }
0x23: {  	[sflag:s17] =	ssyncset.done $0x0  }
0x24: {  	[sflag:s17] =	ssyncadd.s32 $0xFFFFFB00  }
.LBB2_1:
0x25: {  	s0 =	simm.s32 $0x40;
	s1 =	simm.s32 $0x0  }
.LBB2_2:
0x26: {  	p0 =	sne.s32 s0, $0x9FC0;
	[tilespmem:s1+$0x2D00] =	vst v0;
	s1 =	smov.u32 s0;
	s0 =	sadd.s32 $0x40, s0  }
.Ltmp2:
0x27: {  	(pc) =	sbr.rel @p0 .LBB2_2-.Ltmp2, $2  }
0x28: {  	_ =	sdelay $0x2  }
0x29: {  	s1 =	sshra.s32 s1, $0x2  }
0x2a: {  	[tilespmem:s1+$0x2D00] =	vst v0  }
0x2b: {  	[tilespmem:$0x19C00] =	vst v1  }
0x2c: {  	[tilespmem:$0x19C10] =	vst v1  }
0x2d: {  	[tilespmem:$0x19C20] =	vst v1  }
0x2e: {  	[tilespmem:$0x19C30] =	vst v1  }
0x2f: {  	[tilespmem:$0x19C40] =	vst v1  }
0x30: {  	[tilespmem:$0x19C50] =	vst v1  }
0x31: {  	[tilespmem:$0x19C60] =	vst v1  }
0x32: {  	s0 =	simm.s32 $0x2D00;
	[tilespmem:$0x19C70] =	vst v1  }
0x33: {  	[spmem:s7] =	stream.linear.scatter [tilespmem:s0], [sflag:$0x2], $0x2800, $0x38;
	[tilespmem:$0x19C80] =	vst v63  }
0x34: {  	_ =	swait.ge [sflag:s17], $0x2800  }
0x35: {  	[sflag:s17] =	ssyncset.done $0x0  }
0x36: {  	[sflag:s17] =	ssyncadd.s32 $0xFFFFD800  }
0x37: {  	[spmem:s8] =	stream.linear.scatter [tilespmem:s0], [sflag:$0x2], $0x280, $0x38;
	[tilespmem:$0x19C80] =	vst v63  }
0x38: {  	_ =	swait.ge [sflag:s17], $0x280  }
0x39: {  	s16 =	simm.s32 $0x0;
	[sflag:s17] =	ssyncset.done $0x0  }
0x3a: {  	s0 =	simm.s32 $0xAA00;
	s3 =	rddreg [dreg:$0x7];
	[sflag:s17] =	ssyncadd.s32 $0xFFFFFD80  }
0x3b: {  	[tilespmem:s0], [sflag:$0x2] =	stream.linear.gather [hbm4b:s3+s16], $0x5000, $0x38;
	[tilespmem:$0x19C80] =	vst v63  }
0x3c: {  	_ =	swait.ge [sflag:s17], $0x5000  }
0x3d: {  	[sflag:s17] =	ssyncset.done $0x0  }
0x3e: {  	s21 =	simm.s32 $0xFA00;
	[sflag:s17] =	ssyncadd.s32 $0xFFFFB000  }
0x3f: {  	[tilespmem:s21], [sflag:$0x2] =	stream.strided.gather [hbm4b:s10+s18], $0x5000, s19, s18, $0x38;
	[tilespmem:$0x19C80] =	vst v63  }
0x40: {  	_ =	swait.ge [sflag:s17], $0x5000  }
0x41: {  	[sflag:s17] =	ssyncset.done $0x0  }
0x42: {  	s25 =	simm.s32 $0x14A00;
	[sflag:s17] =	ssyncadd.s32 $0xFFFFB000  }
0x43: {  	[tilespmem:s25], [sflag:$0x2] =	stream.strided.gather [hbm4b:s11+s18], $0x5000, s19, s18, $0x38;
	[tilespmem:$0x19C80] =	vst v63  }
0x44: {  	_ =	swait.ge [sflag:s17], $0x5000  }
0x45: {  	[sflag:s17] =	ssyncset.done $0x0  }
0x46: {  	[sflag:s17] =	ssyncadd.s32 $0xFFFFB000  }
0x47: {  	s28 =	rddreg [dreg:$0x2]  }
0x48: {  	[tilespmem:s22], [sflag:$0x2] =	stream.linear.gather [hbm4b:s28+s16], $0x2800, $0x38;
	[tilespmem:$0x19C80] =	vst v63  }
0x49: {  	_ =	swait.ge [sflag:s17], $0x2800  }
0x4a: {  	[sflag:s17] =	ssyncset.done $0x0  }
0x4b: {  	p0 =	por $0x1, $0x1;
	[sflag:s17] =	ssyncadd.s32 $0xFFFFD800  }
0x4c: {  	s3 =	simm.s32 @!p0 $0x1;
	[bflag:$0x0] =	sbarrier.arrive $0xFFFF  }
0x4d: {  	_ =	swait.ge @!p0 [sflag:s3], $0x80  }
0x4e: {  	[sflag:s3] =	ssyncset.done @!p0 $0x0  }
0x4f: {  	s1 =	simm.s32 $0x1;
	[sflag:s3] =	ssyncadd.s32 @!p0 $0xFFFFFF80;
	s3 =	simm.s32 $0xAA80  }
.LBB2_4:
0x50: {  	[spmem:s4] =	stream.indirect.scatter.add.f32 [tilespmem:s23], [sflag:$0x1], $0x1, s0, s18, $0xb8;
	[tilespmem:$0x19C80] =	vst v63  }
0x51: {  	p0 =	slt.u32 s1, $0x8;
	s1 =	sadd.s32 $0x1, s1  }
0x52: {  	p1 =	sne.s32 s1, $0xA0  }
.Ltmp3:
0x53: {  	(pc) =	sbr.rel @p1 .LBB2_4-.Ltmp3, $4  }
0x54: {  	s0 =	smov.u32 s3;
	s9 =	simm.s32 @!p0 $0x1  }
0x55: {  	_ =	swait.ge @!p0 [sflag:s9], $0x80  }
0x56: {  	[sflag:s9] =	ssyncset.done @!p0 $0x0  }
0x57: {  	s3 =	sadd.s32 $0x80, s3;
	[sflag:s9] =	ssyncadd.s32 @!p0 $0xFFFFFF80  }
0x58: {  	[spmem:s4] =	stream.indirect.scatter.add.f32 [tilespmem:s23], [sflag:$0x1], $0x1, s0, s18, $0xb8;
	[tilespmem:$0x19C80] =	vst v63  }
0x59: {  	_ =	swait.ge [sflag:s24], $0x80  }
0x5a: {  	[sflag:s24] =	ssyncset.done $0x0  }
0x5b: {  	[sflag:s24] =	ssyncadd.s32 $0xFFFFFF80  }
0x5c: {  	_ =	swait.ge [sflag:s24], $0x80  }
0x5d: {  	[sflag:s24] =	ssyncset.done $0x0  }
0x5e: {  	[sflag:s24] =	ssyncadd.s32 $0xFFFFFF80  }
0x5f: {  	_ =	swait.ge [sflag:s24], $0x80  }
0x60: {  	[sflag:s24] =	ssyncset.done $0x0  }
0x61: {  	[sflag:s24] =	ssyncadd.s32 $0xFFFFFF80  }
0x62: {  	_ =	swait.ge [sflag:s24], $0x80  }
0x63: {  	[sflag:s24] =	ssyncset.done $0x0  }
0x64: {  	[sflag:s24] =	ssyncadd.s32 $0xFFFFFF80  }
0x65: {  	_ =	swait.ge [sflag:s24], $0x80  }
0x66: {  	[sflag:s24] =	ssyncset.done $0x0  }
0x67: {  	[sflag:s24] =	ssyncadd.s32 $0xFFFFFF80  }
0x68: {  	_ =	swait.ge [sflag:s24], $0x80  }
0x69: {  	[sflag:s24] =	ssyncset.done $0x0  }
0x6a: {  	[sflag:s24] =	ssyncadd.s32 $0xFFFFFF80  }
0x6b: {  	_ =	swait.ge [sflag:s24], $0x80  }
0x6c: {  	[sflag:s24] =	ssyncset.done $0x0  }
0x6d: {  	[sflag:s24] =	ssyncadd.s32 $0xFFFFFF80  }
0x6e: {  	_ =	swait.ge [sflag:s24], $0x80  }
0x6f: {  	[sflag:s24] =	ssyncset.done $0x0  }
0x70: {  	[sflag:s24] =	ssyncadd.s32 $0xFFFFFF80  }
0x71: {  	s25 =	simm.s32 $0xA500;
	[bflag:$0x0] =	sbarrier.arrive $0xFFFF  }
0x72: {  	[tilespmem:s25], [sflag:$0x2] =	stream.linear.gather [spmem:s8], $0x280, $0x38;
	[tilespmem:$0x19C80] =	vst v63  }
0x73: {  	_ =	swait.ge [sflag:s17], $0x280  }
0x74: {  	[sflag:s17] =	ssyncset.done $0x0  }
0x75: {  	s25 =	simm.s32 $0x0;
	[sflag:s17] =	ssyncadd.s32 $0xFFFFFD80  }
0x76: {  	v2 =	vld [tilespmem:s25+$0xA500];
	_ =	sdelay $0x4  }
0x77: {  	s21 =	simm.s32 $0x10;
	v2 =	vadd.f32 $1.000000000e+00, v2  }
0x78: {  	v3 =	vld [tilespmem:s21+$0xA500]  }
0x79: {  	v4 =	vshrl.u32 v2, $0x1;
	v5 =	vmul.f32 $5.000000000e-01, v2  }
0x7a: {  	v2 =	vsub.s32 $0x5F3759DF, v4  }
0x7b: {  	v4 =	vmul.f32 v2, v5  }
0x7c: {  	s28 =	simm.s32 $0x20  }
0x7d: {  	v6 =	vld [tilespmem:s28+$0xA500];
	v3 =	vadd.f32 $1.000000000e+00, v3;
	v4 =	vmul.f32 v2, v4;
	_ =	sdelay $0x1  }
0x7e: {  	v7 =	vshrl.u32 v3, $0x1;
	v9 =	vmul.f32 $5.000000000e-01, v3;
	v3 =	vsub.f32 $1.500000000e+00, v4  }
0x7f: {  	v4 =	vsub.s32 $0x5F3759DF, v7  }
0x80: {  	v7 =	vmul.f32 v4, v9;
	v3 =	vmul.f32 v2, v3  }
0x81: {  	s0 =	simm.s32 $0x30;
	v2 =	vadd.f32 $1.000000000e+00, v6  }
0x82: {  	v6 =	vld [tilespmem:s0+$0xA500];
	v7 =	vmul.f32 v4, v7;
	v8 =	vmul.f32 v3, v5  }
0x83: {  	v10 =	vshrl.u32 v2, $0x1;
	v2 =	vmul.f32 $5.000000000e-01, v2  }
0x84: {  	v7 =	vsub.f32 $1.500000000e+00, v7;
	v10 =	vsub.s32 $0x5F3759DF, v10;
	v8 =	vmul.f32 v8, v3  }
0x85: {  	v11 =	vmul.f32 v10, v2  }
0x86: {  	v4 =	vmul.f32 v4, v7;
	v7 =	vsub.f32 $1.500000000e+00, v8  }
0x87: {  	v6 =	vadd.f32 $1.000000000e+00, v6;
	v11 =	vmul.f32 v10, v11  }
0x88: {  	s1 =	simm.s32 $0x40;
	v12 =	vmul.f32 v4, v9;
	v7 =	vmul.f32 v7, v3  }
0x89: {  	v8 =	vld [tilespmem:s1+$0xA500];
	v13 =	vshrl.u32 v6, $0x1;
	v3 =	vmul.f32 $5.000000000e-01, v6;
	v6 =	vsub.f32 $1.500000000e+00, v11  }
0x8a: {  	v14 =	vsub.s32 $0x5F3759DF, v13;
	v11 =	vmul.f32 v12, v4;
	v5 =	vmul.f32 v7, v5  }
0x8b: {  	v12 =	vmul.f32 v14, v3;
	v6 =	vmul.f32 v10, v6  }
0x8c: {  	v10 =	vsub.f32 $1.500000000e+00, v11;
	v5 =	vmul.f32 v5, v7  }
0x8d: {  	v11 =	vmul.f32 v14, v12;
	v12 =	vmul.f32 v6, v2  }
0x8e: {  	s3 =	simm.s32 $0x50;
	v8 =	vadd.f32 $1.000000000e+00, v8;
	v4 =	vmul.f32 v10, v4  }
0x8f: {  	v15 =	vsub.f32 $1.500000000e+00, v5;
	v16 =	vsub.f32 $1.500000000e+00, v11;
	v11 =	vmul.f32 v12, v6;
	v12 =	vld [tilespmem:s3+$0xA500]  }
0x90: {  	v13 =	vshrl.u32 v8, $0x1;
	v5 =	vmul.f32 $5.000000000e-01, v8  }
0x91: {  	v8 =	vsub.s32 $0x5F3759DF, v13;
	v10 =	vmul.f32 v4, v9;
	v7 =	vmul.f32 v15, v7  }
0x92: {  	s9 =	simm.s32 $0x180;
	v13 =	vmul.f32 v8, v5;
	v9 =	vmul.f32 v14, v16  }
.LBB2_6:
0x93: {  	s16 =	sshra.s32 s9, $0x2  }
0x94: {  	v14 =	vadd.f32 $1.000000000e+00, v12;
	v11 =	vsub.f32 $1.500000000e+00, v11;
	v10 =	vmul.f32 v10, v4;
	[tilespmem:s25+$0xA780] =	vst v7;
	s25 =	smov.u32 s21;
	s21 =	smov.u32 s28;
	p0 =	sne.s32 s9, $0x9C0  }
.Ltmp4:
0x95: {  	s28 =	smov.u32 s0;
	s0 =	smov.u32 s1;
	v12 =	vld [tilespmem:s16+$0xA500];
	v7 =	vmul.f32 v8, v13;
	v13 =	vmul.f32 v9, v3;
	(pc) =	sbr.rel @p0 .LBB2_6-.Ltmp4, $4  }
0x96: {  	s9 =	sadd.s32 $0x40, s9;
	s1 =	smov.u32 s3;
	v15 =	vshrl.u32 v14, $0x1;
	v16 =	vmul.f32 v11, v6;
	v17 =	vsub.f32 $1.500000000e+00, v10;
	v6 =	vmovc v9  }
0x97: {  	s3 =	smov.u32 s16;
	v14 =	vmul.f32 $5.000000000e-01, v14;
	v9 =	vsub.f32 $1.500000000e+00, v7;
	v11 =	vmul.f32 v13, v6  }
0x98: {  	v15 =	vsub.s32 $0x5F3759DF, v15;
	v10 =	vmul.f32 v16, v2;
	v7 =	vmul.f32 v17, v4;
	v4 =	vmovc v16;
	v2 =	vmovc v3  }
0x99: {  	v13 =	vmul.f32 v15, v14;
	v3 =	vmovc v5;
	v5 =	vmovc v14;
	v9 =	vmul.f32 v8, v9;
	v8 =	vmov v15  }
0x9a: {  	v12 =	vadd.f32 $1.000000000e+00, v12;
	_ =	sdelay $0x1  }
0x9b: {  	v14 =	vshrl.u32 v12, $0x1;
	v12 =	vmul.f32 $5.000000000e-01, v12  }
0x9c: {  	v14 =	vsub.s32 $0x5F3759DF, v14  }
0x9d: {  	v15 =	vmul.f32 v14, v12  }
0x9e: {  	v13 =	vmul.f32 v8, v13  }
0x9f: {  	v15 =	vmul.f32 v14, v15  }
0xa0: {  	v13 =	vsub.f32 $1.500000000e+00, v13  }
0xa1: {  	v15 =	vsub.f32 $1.500000000e+00, v15  }
0xa2: {  	v53 =	vmul.f32 v8, v13  }
0xa3: {  	v54 =	vmul.f32 v9, v3;
	v14 =	vmul.f32 v14, v15  }
0xa4: {  	v55 =	vmul.f32 v53, v5  }
0xa5: {  	v13 =	vmul.f32 v54, v9;
	v16 =	vmul.f32 v14, v12  }
0xa6: {  	v11 =	vsub.f32 $1.500000000e+00, v11;
	v15 =	vmul.f32 v55, v53  }
0xa7: {  	v13 =	vsub.f32 $1.500000000e+00, v13;
	v16 =	vmul.f32 v16, v14  }
0xa8: {  	v6 =	vmul.f32 v11, v6;
	v56 =	vsub.f32 $1.500000000e+00, v15  }
0xa9: {  	v10 =	vmul.f32 v10, v4;
	v57 =	vmul.f32 v13, v9;
	v58 =	vsub.f32 $1.500000000e+00, v16  }
0xaa: {  	v2 =	vmul.f32 v6, v2;
	v8 =	vmul.f32 v56, v53  }
0xab: {  	v3 =	vmul.f32 v57, v3;
	v59 =	vmul.f32 v58, v14  }
0xac: {  	v2 =	vmul.f32 v2, v6;
	v60 =	vmul.f32 v8, v5  }
0xad: {  	v10 =	vsub.f32 $1.500000000e+00, v10;
	v3 =	vmul.f32 v3, v57;
	v12 =	vmul.f32 v59, v12  }
0xae: {  	v2 =	vsub.f32 $1.500000000e+00, v2;
	v5 =	vmul.f32 v60, v8  }
0xaf: {  	v61 =	vmul.f32 v10, v4;
	v3 =	vsub.f32 $1.500000000e+00, v3;
	v62 =	vmul.f32 v12, v59  }
0xb0: {  	[tilespmem:s25+$0xA780] =	vst v7;
	v2 =	vmul.f32 v2, v6;
	v5 =	vsub.f32 $1.500000000e+00, v5  }
0xb1: {  	[tilespmem:s21+$0xA780] =	vst v61;
	v3 =	vmul.f32 v3, v57;
	v63 =	vsub.f32 $1.500000000e+00, v62  }
0xb2: {  	[tilespmem:s28+$0xA780] =	vst v2;
	v2 =	vmul.f32 v5, v8  }
0xb3: {  	[tilespmem:s0+$0xA780] =	vst v3;
	v3 =	vmul.f32 v63, v59  }
0xb4: {  	[tilespmem:s1+$0xA780] =	vst v2  }
0xb5: {  	[tilespmem:s3+$0xA780] =	vst v3  }
0xb6: {  	[spmem:s12] =	stream.linear.scatter [tilespmem:s26], [sflag:$0x2], $0x280, $0x38;
	[tilespmem:$0x19C80] =	vst v63  }
0xb7: {  	_ =	swait.ge [sflag:s17], $0x280  }
0xb8: {  	[sflag:s17] =	ssyncset.done $0x0  }
0xb9: {  	s21 =	simm.s32 $0x100;
	[sflag:s17] =	ssyncadd.s32 $0xFFFFFD80  }
0xba: {  	[hbm4b:s13+s18] =	stream.strided.scatter [tilespmem:s26], [sflag:$0x2], $0x280, s21, s18, $0x38;
	[tilespmem:$0x19C80] =	vst v63  }
0xbb: {  	_ =	swait.ge [sflag:s17], $0x280  }
0xbc: {  	[sflag:s17] =	ssyncset.done $0x0  }
0xbd: {  	[sflag:s17] =	ssyncadd.s32 $0xFFFFFD80  }
0xbe: {  	[bflag:$0x0] =	sbarrier.arrive $0xFFFF  }
.Ltmp5:
0xbf: {  	s25 =	rddreg [dreg:$0x5];
	(pc) =	sbr.rel .LBB2_8-.Ltmp5, $4  }
0xc0: {  	[tilespmem:s29], [sflag:$0x2] =	stream.linear.gather [spmem:s25], $0x2800, $0x38;
	[tilespmem:$0x19C80] =	vst v63  }
0xc1: {  	_ =	swait.ge [sflag:s17], $0x2800  }
0xc2: {  	s28 =	simm.s32 $0xFA40;
	[sflag:s17] =	ssyncset.done $0x0  }
0xc3: {  	s21 =	simm.s32 $0x0;
	s25 =	simm.s32 $0x14A40;
	[sflag:s17] =	ssyncadd.s32 $0xFFFFD800  }
.LBB2_10:
0xc4: {  	s0 =	simm.s32 @!p0 $0x1  }
0xc5: {  	_ =	swait.ge @!p0 [sflag:s0], $0x80  }
0xc6: {  	[sflag:s0] =	ssyncset.done @!p0 $0x0  }
0xc7: {  	[sflag:s0] =	ssyncadd.s32 @!p0 $0xFFFFFF80  }
0xc8: {  	v2 =	vld [tilespmem:s28+$0xFFFFFFC0];
	_ =	sdelay $0x6  }
0xc9: {  	v3 =	vld [tilespmem:s25+$0xFFFFFFC0]  }
0xca: {  	v4 =	vld.idx.msk [tilespmem:v2+s22+$0x0], $0xffff  }
0xcb: {  	v2 =	vld.idx.msk [tilespmem:v2+s29+$0x0], $0xffff;
	_ =	sdelay $0x3  }
0xcc: {  	v3 =	vshll.u32 v3, $0x4  }
0xcd: {  	v3 =	vadd.s32 v4, v3;
	[tilespmem:$0x19B80] =	vst v2  }
0xce: {  	[tilespmem:$0x19B00] =	vst v3  }
0xcf: {  	v2 =	vld [tilespmem:s28+$0xFFFFFFD0];
	_ =	sdelay $0x6  }
0xd0: {  	v3 =	vld [tilespmem:s25+$0xFFFFFFD0]  }
0xd1: {  	v57 =	vld.idx.msk [tilespmem:v2+s22+$0x0], $0xffff  }
0xd2: {  	v2 =	vld.idx.msk [tilespmem:v2+s29+$0x0], $0xffff;
	_ =	sdelay $0x3  }
0xd3: {  	v3 =	vshll.u32 v3, $0x4  }
0xd4: {  	v3 =	vadd.s32 v57, v3;
	[tilespmem:$0x19B90] =	vst v2  }
0xd5: {  	[tilespmem:$0x19B10] =	vst v3  }
0xd6: {  	v2 =	vld [tilespmem:s28+$0xFFFFFFE0];
	_ =	sdelay $0x6  }
0xd7: {  	v3 =	vld [tilespmem:s25+$0xFFFFFFE0]  }
0xd8: {  	v58 =	vld.idx.msk [tilespmem:v2+s22+$0x0], $0xffff  }
0xd9: {  	v2 =	vld.idx.msk [tilespmem:v2+s29+$0x0], $0xffff;
	_ =	sdelay $0x3  }
0xda: {  	v3 =	vshll.u32 v3, $0x4  }
0xdb: {  	v3 =	vadd.s32 v58, v3;
	[tilespmem:$0x19BA0] =	vst v2  }
0xdc: {  	[tilespmem:$0x19B20] =	vst v3  }
0xdd: {  	v2 =	vld [tilespmem:s28+$0xFFFFFFF0];
	_ =	sdelay $0x6  }
0xde: {  	v3 =	vld [tilespmem:s25+$0xFFFFFFF0]  }
0xdf: {  	v59 =	vld.idx.msk [tilespmem:v2+s22+$0x0], $0xffff  }
0xe0: {  	v2 =	vld.idx.msk [tilespmem:v2+s29+$0x0], $0xffff;
	_ =	sdelay $0x3  }
0xe1: {  	v3 =	vshll.u32 v3, $0x4  }
0xe2: {  	v3 =	vadd.s32 v59, v3;
	[tilespmem:$0x19BB0] =	vst v2  }
0xe3: {  	[tilespmem:$0x19B30] =	vst v3  }
0xe4: {  	v2 =	vld [tilespmem:s28+$0x0];
	_ =	sdelay $0x6  }
0xe5: {  	v3 =	vld [tilespmem:s25+$0x0]  }
0xe6: {  	v60 =	vld.idx.msk [tilespmem:v2+s22+$0x0], $0xffff  }
0xe7: {  	v2 =	vld.idx.msk [tilespmem:v2+s29+$0x0], $0xffff;
	_ =	sdelay $0x3  }
0xe8: {  	v3 =	vshll.u32 v3, $0x4  }
0xe9: {  	v3 =	vadd.s32 v60, v3;
	[tilespmem:$0x19BC0] =	vst v2  }
0xea: {  	[tilespmem:$0x19B40] =	vst v3  }
0xeb: {  	v2 =	vld [tilespmem:s28+$0x10];
	_ =	sdelay $0x6  }
0xec: {  	v3 =	vld [tilespmem:s25+$0x10]  }
0xed: {  	v61 =	vld.idx.msk [tilespmem:v2+s22+$0x0], $0xffff  }
0xee: {  	v2 =	vld.idx.msk [tilespmem:v2+s29+$0x0], $0xffff;
	_ =	sdelay $0x3  }
0xef: {  	v3 =	vshll.u32 v3, $0x4  }
0xf0: {  	v3 =	vadd.s32 v61, v3;
	[tilespmem:$0x19BD0] =	vst v2  }
0xf1: {  	[tilespmem:$0x19B50] =	vst v3  }
0xf2: {  	v2 =	vld [tilespmem:s28+$0x20];
	_ =	sdelay $0x6  }
0xf3: {  	v3 =	vld [tilespmem:s25+$0x20]  }
0xf4: {  	v62 =	vld.idx.msk [tilespmem:v2+s22+$0x0], $0xffff  }
0xf5: {  	v2 =	vld.idx.msk [tilespmem:v2+s29+$0x0], $0xffff;
	_ =	sdelay $0x3  }
0xf6: {  	v3 =	vshll.u32 v3, $0x4  }
0xf7: {  	v3 =	vadd.s32 v62, v3;
	[tilespmem:$0x19BE0] =	vst v2  }
0xf8: {  	[tilespmem:$0x19B60] =	vst v3  }
0xf9: {  	v2 =	vld [tilespmem:s28+$0x30];
	_ =	sdelay $0x6  }
0xfa: {  	v3 =	vld [tilespmem:s25+$0x30]  }
0xfb: {  	v63 =	vld.idx.msk [tilespmem:v2+s22+$0x0], $0xffff  }
0xfc: {  	v2 =	vld.idx.msk [tilespmem:v2+s29+$0x0], $0xffff;
	_ =	sdelay $0x3  }
0xfd: {  	v3 =	vshll.u32 v3, $0x4  }
0xfe: {  	v3 =	vadd.s32 v63, v3;
	[tilespmem:$0x19BF0] =	vst v2  }
0xff: {  	[tilespmem:$0x19B70] =	vst v3  }
0x100: {  	[spmem:s2] =	stream.indirect.scatter.add.f32 [tilespmem:s31], [sflag:$0x1], $0x1, s30, s18, $0xb8;
	[tilespmem:$0x19C80] =	vst v63  }
.LBB2_11:
0x101: {  	s21 =	sadd.s32 $0x1, s21  }
0x102: {  	p0 =	sne.s32 s21, $0xA0  }
.Ltmp6:
0x103: {  	_ = 	snop;
	(pc) =	sbr.rel @!p0 .LBB2_12-.Ltmp6, $2  }
0x104: {  	_ =	sdelay $0x2  }
0x105: {  	s25 =	sadd.s32 $0x80, s25;
	s28 =	sadd.s32 $0x80, s28  }
.LBB2_8:
0x106: {  	s0 =	sand.u32 $0x1, s21  }
0x107: {  	p1 =	seq.s32 s0, $0x1  }
.Ltmp7:
0x108: {  	_ = 	snop;
	(pc) =	sbr.rel @p1 .LBB2_10-.Ltmp7, $2  }
0x109: {  	_ =	sdelay $0x2  }
0x10a: {  	p0 =	slt.u32 s21, $0x2  }
0x10b: {  	s0 =	simm.s32 @!p0 $0x1  }
0x10c: {  	_ =	swait.ge @!p0 [sflag:s0], $0x80  }
0x10d: {  	[sflag:s0] =	ssyncset.done @!p0 $0x0  }
0x10e: {  	[sflag:s0] =	ssyncadd.s32 @!p0 $0xFFFFFF80  }
0x10f: {  	v2 =	vld [tilespmem:s28+$0xFFFFFFC0];
	_ =	sdelay $0x6  }
0x110: {  	v3 =	vld [tilespmem:s25+$0xFFFFFFC0]  }
0x111: {  	v4 =	vld.idx.msk [tilespmem:v2+s22+$0x0], $0xffff  }
0x112: {  	v2 =	vld.idx.msk [tilespmem:v2+s29+$0x0], $0xffff;
	_ =	sdelay $0x3  }
0x113: {  	v3 =	vshll.u32 v3, $0x4  }
0x114: {  	v3 =	vadd.s32 v4, v3;
	[tilespmem:$0x19A80] =	vst v2  }
0x115: {  	[tilespmem:$0x19A00] =	vst v3  }
0x116: {  	v2 =	vld [tilespmem:s28+$0xFFFFFFD0];
	_ =	sdelay $0x6  }
0x117: {  	v3 =	vld [tilespmem:s25+$0xFFFFFFD0]  }
0x118: {  	v57 =	vld.idx.msk [tilespmem:v2+s22+$0x0], $0xffff  }
0x119: {  	v2 =	vld.idx.msk [tilespmem:v2+s29+$0x0], $0xffff;
	_ =	sdelay $0x3  }
0x11a: {  	v3 =	vshll.u32 v3, $0x4  }
0x11b: {  	v3 =	vadd.s32 v57, v3;
	[tilespmem:$0x19A90] =	vst v2  }
0x11c: {  	[tilespmem:$0x19A10] =	vst v3  }
0x11d: {  	v2 =	vld [tilespmem:s28+$0xFFFFFFE0];
	_ =	sdelay $0x6  }
0x11e: {  	v3 =	vld [tilespmem:s25+$0xFFFFFFE0]  }
0x11f: {  	v58 =	vld.idx.msk [tilespmem:v2+s22+$0x0], $0xffff  }
0x120: {  	v2 =	vld.idx.msk [tilespmem:v2+s29+$0x0], $0xffff;
	_ =	sdelay $0x3  }
0x121: {  	v3 =	vshll.u32 v3, $0x4  }
0x122: {  	v3 =	vadd.s32 v58, v3;
	[tilespmem:$0x19AA0] =	vst v2  }
0x123: {  	[tilespmem:$0x19A20] =	vst v3  }
0x124: {  	v2 =	vld [tilespmem:s28+$0xFFFFFFF0];
	_ =	sdelay $0x6  }
0x125: {  	v3 =	vld [tilespmem:s25+$0xFFFFFFF0]  }
0x126: {  	v59 =	vld.idx.msk [tilespmem:v2+s22+$0x0], $0xffff  }
0x127: {  	v2 =	vld.idx.msk [tilespmem:v2+s29+$0x0], $0xffff;
	_ =	sdelay $0x3  }
0x128: {  	v3 =	vshll.u32 v3, $0x4  }
0x129: {  	v3 =	vadd.s32 v59, v3;
	[tilespmem:$0x19AB0] =	vst v2  }
0x12a: {  	[tilespmem:$0x19A30] =	vst v3  }
0x12b: {  	v2 =	vld [tilespmem:s28+$0x0];
	_ =	sdelay $0x6  }
0x12c: {  	v3 =	vld [tilespmem:s25+$0x0]  }
0x12d: {  	v60 =	vld.idx.msk [tilespmem:v2+s22+$0x0], $0xffff  }
0x12e: {  	v2 =	vld.idx.msk [tilespmem:v2+s29+$0x0], $0xffff;
	_ =	sdelay $0x3  }
0x12f: {  	v3 =	vshll.u32 v3, $0x4  }
0x130: {  	v3 =	vadd.s32 v60, v3;
	[tilespmem:$0x19AC0] =	vst v2  }
0x131: {  	[tilespmem:$0x19A40] =	vst v3  }
0x132: {  	v2 =	vld [tilespmem:s28+$0x10];
	_ =	sdelay $0x6  }
0x133: {  	v3 =	vld [tilespmem:s25+$0x10]  }
0x134: {  	v61 =	vld.idx.msk [tilespmem:v2+s22+$0x0], $0xffff  }
0x135: {  	v2 =	vld.idx.msk [tilespmem:v2+s29+$0x0], $0xffff;
	_ =	sdelay $0x3  }
0x136: {  	v3 =	vshll.u32 v3, $0x4  }
0x137: {  	v3 =	vadd.s32 v61, v3;
	[tilespmem:$0x19AD0] =	vst v2  }
0x138: {  	[tilespmem:$0x19A50] =	vst v3  }
0x139: {  	v2 =	vld [tilespmem:s28+$0x20];
	_ =	sdelay $0x6  }
0x13a: {  	v3 =	vld [tilespmem:s25+$0x20]  }
0x13b: {  	v62 =	vld.idx.msk [tilespmem:v2+s22+$0x0], $0xffff  }
0x13c: {  	v2 =	vld.idx.msk [tilespmem:v2+s29+$0x0], $0xffff;
	_ =	sdelay $0x3  }
0x13d: {  	v3 =	vshll.u32 v3, $0x4  }
0x13e: {  	v3 =	vadd.s32 v62, v3;
	[tilespmem:$0x19AE0] =	vst v2  }
0x13f: {  	[tilespmem:$0x19A60] =	vst v3  }
0x140: {  	v2 =	vld [tilespmem:s28+$0x30];
	_ =	sdelay $0x6  }
0x141: {  	v3 =	vld [tilespmem:s25+$0x30]  }
0x142: {  	v63 =	vld.idx.msk [tilespmem:v2+s22+$0x0], $0xffff  }
0x143: {  	v2 =	vld.idx.msk [tilespmem:v2+s29+$0x0], $0xffff;
	_ =	sdelay $0x2  }
.Ltmp8:
0x144: {  	_ = 	snop;
	(pc) =	sbr.rel .LBB2_11-.Ltmp8, $4  }
0x145: {  	v3 =	vshll.u32 v3, $0x4  }
0x146: {  	v3 =	vadd.s32 v63, v3;
	[tilespmem:$0x19AF0] =	vst v2  }
0x147: {  	[tilespmem:$0x19A70] =	vst v3  }
0x148: {  	[spmem:s2] =	stream.indirect.scatter.add.f32 [tilespmem:s20], [sflag:$0x1], $0x1, s5, s18, $0xb8;
	[tilespmem:$0x19C80] =	vst v63  }
.LBB2_13:
0x149: {  	_ =	sfence.sel $0x180000  }
0x14a: {  	[bflag:$0x0] =	sbarrier.arrive $0xFFFF  }
0x14b: {  	_ =	strace $0x90000047  }
0x14c: {  	s0 =	stileid.u32;
	[bflag:$0x2] =	sbarrier.arrive $0xFFFF  }
0x14d: {  	p0 =	sne.s32 s0, $0x0;
	s0 =	rddreg [dreg:$0x6]  }
0x14e: {  	s0 =	sadd.s32 @!p0 $0x100000, s0  }
0x14f: {  	[sflag:s0] =	ssyncadd.tile.s32 @!p0 $0x1;
	_ =	shalt  }
.Lfunc_end2:
_tile_overlayer_lowered:
.L_overlay_start_2:
0x150: {  	(tag) =	ssettag $0x2  }
0x151: {  	s0 =	rddreg [dreg:$0x0];
	s2 =	stileid.u32  }
0x152: {  	s1 =	rddreg [dreg:$0x1];
	p0 =	sne.s32 s2, $0x0  }
0x153: {  	s3 =	rddreg [dreg:$0x2];
	[bflag:$0x3] =	sbarrier.arrive $0xFFFF;
	s2 =	simm.s32 @!p0 $0x1C02  }
0x154: {  	[timem:s3], [sflag:s2] =	dma.local @!p0 [hbm:s0], s1  }
0x155: {  	s0 =	simm.s32 @!p0 $0x2  }
0x156: {  	_ =	swait.ge @!p0 [sflag:s0], s1  }
0x157: {  	s1 =	ssub.s32 @!p0 $0x0, s1;
	[sflag:s0] =	ssyncset.done @!p0 $0x0  }
0x158: {  	[sflag:s0] =	ssyncadd.s32 @!p0 s1  }
0x159: {  	[bflag:$0x3] =	sbarrier.arrive $0xFFFF  }
0x15a: {  	_ =	shalt  }

// kernel: kernel.9.cloned.1.call-start
scs
__scs_entry_jumppad:
0x0: {  	(pc) =	sbr.rel $0x88, $3  }
0x1: {  	(tag) =	ssettag $0x0;
	lr =	simm.s32 $0x1  }
0x2: {  	[smem:$0x3F94] =	sst lr;
	_ =	strace $0xD0000000  }
0x3: {  	_ = 	snop  }
0x4: {  	_ = 	snop  }
0x5: {  	_ = 	snop  }
0x6: {  	_ = 	snop  }
0x7: {  	_ = 	snop  }
__scs_overlays_trampoline_lowered:
0x8: {  	[smem:$0x3FA3] =	sst s0  }
0x9: {  	[smem:$0x3FA4] =	sst s1  }
0xa: {  	[smem:$0x3FA5] =	sst s2  }
0xb: {  	[smem:$0x3FA6] =	sst s3  }
0xc: {  	[smem:$0x3FA7] =	sst s4  }
0xd: {  	[smem:$0x3FA8] =	sst s5  }
0xe: {  	[smem:$0x3FA9] =	sst s6  }
0xf: {  	[smem:$0x3FAA] =	sst s7  }
0x10: {  	[smem:$0x3FAB] =	sst s8  }
0x11: {  	[smem:$0x3FAC] =	sst s9;
	s0 =	simm.s32 @!p0 $0x0  }
0x12: {  	s1 =	sld [smem:$0x3F92];
	s0 =	simm.s32 @p0 $0x1  }
0x13: {  	[smem:$0x3FAD] =	sst s0;
	s0 =	simm.s32 @!p1 $0x0  }
0x14: {  	s2 =	sld [smem:$0x3F91];
	s0 =	simm.s32 @p1 $0x1  }
0x15: {  	[smem:$0x3FAE] =	sst s0;
	s0 =	simm.s32 @!p2 $0x0  }
0x16: {  	s3 =	sld [smem:$0x3FDB];
	s0 =	simm.s32 @p2 $0x1  }
0x17: {  	s4 =	simm.s32 $0x1BF5;
	[smem:$0x3FB0] =	sst s0  }
0x18: {  	s0 =	sld [smem:$0x3F93];
	_ =	swait.ge [sflag:s4], $0x0  }
0x19: {  	s7 =	sld [smem:$0x3F94]  }
0x1a: {  	s8 =	sadd.s32 $0xFFFFE003, lr  }
0x1b: {  	s9 =	sadd.s32 $0xFFFFFEF7, lr;
	s5 =	simm.s32 $0xFFFFFFFF;
	p2 =	slt.u32 s8, $0xFFFFF086  }
0x1c: {  	p1 =	slt.u32 s9, $0xF7A;
	s5 =	simm.s32 @!p2 $0x0  }
0x1d: {  	s5 =	simm.s32 @p1 $0x1;
	p0 =	seq.s32 s7, s2  }
0x1e: {  	s7 =	smul.u32 @!p0 $0xF7A, s2;
	p2 =	seq.s32 @!p0 s5, $0x0  }
0x1f: {  	s9 =	smul.u32 $0xF7A, s1;
	s8 =	simm.s32 @!p0 $0x1BF5;
	p2 =	por !p2, p0  }
0x20: {  	[sflag:s8] =	ssyncset.s32 @!p0 $0xFFFFF086;
	s6 =	sadd.s32 @!p0 s3, s7;
	s7 =	simm.s32 @!p0 $0x108  }
0x21: {  	s3 =	sadd.s32 s3, s9;
	s6 =	sadd.s32 @!p0 $0x88, s6;
	s7 =	simm.s32 @p2 $0x1082  }
0x22: {  	[simem:s7], [sflag:s8] =	dma.local @!p0 [hbm:s6], $0xF7A  }
0x23: {  	s9 =	sor.u32 $0xD0000000, s2;
	s6 =	simm.s32 $0x108;
	_ =	swait.ge @!p0 [sflag:s8], $0x0  }
0x24: {  	s3 =	sadd.s32 $0x88, s3;
	s6 =	simm.s32 @!p1 $0x1082;
	[sflag:s4] =	ssyncset.s32 $0xFFFFF086  }
0x25: {  	[simem:s6], [sflag:s4] =	dma.local [hbm:s3], $0xF7A  }
0x26: {  	[smem:$0x3F94] =	sst s1;
	(tag) =	ssettag s2;
	_ =	strace s9  }
0x27: {  	s1 =	sld [smem:$0x3FA4]  }
0x28: {  	s2 =	sld [smem:$0x3FA5]  }
0x29: {  	s4 =	sld [smem:$0x3FA7]  }
0x2a: {  	p0 =	seq.s32 s5, $0x0;
	s5 =	sld [smem:$0x3FA8]  }
0x2b: {  	s6 =	sld [smem:$0x3FA9]  }
0x2c: {  	s7 =	sld [smem:$0x3FAA]  }
0x2d: {  	s3 =	simm.s32 $0x108;
	s8 =	sld [smem:$0x3FAB]  }
0x2e: {  	s3 =	simm.s32 @!p0 $0x1082;
	s9 =	sld [smem:$0x3FAC]  }
0x2f: {  	lr =	sadd.s32 s0, s3;
	s0 =	sld [smem:$0x3FA3]  }
0x30: {  	s3 =	sld [smem:$0x3FA6]  }
0x31: {  	[smem:$0x3FAF] =	sst s10  }
0x32: {  	s10 =	sld [smem:$0x3FAD];
	_ =	sdelay $0x3  }
0x33: {  	p0 =	seq.s32 s10, $0x1;
	s10 =	sld [smem:$0x3FAF];
	_ =	sdelay $0x3  }
0x34: {  	[smem:$0x3FAF] =	sst s10  }
0x35: {  	s10 =	sld [smem:$0x3FAE];
	_ =	sdelay $0x3  }
0x36: {  	p1 =	seq.s32 s10, $0x1;
	s10 =	sld [smem:$0x3FAF];
	_ =	sdelay $0x3  }
0x37: {  	[smem:$0x3FAF] =	sst s10  }
0x38: {  	s10 =	sld [smem:$0x3FB0]  }
0x39: {  	_ = 	snop;
	(pc) =	sbr.ind lr, $3  }
0x3a: {  	_ = 	snop  }
0x3b: {  	_ = 	snop  }
0x3c: {  	p2 =	seq.s32 s10, $0x1;
	s10 =	sld [smem:$0x3FAF]  }
0x3d: {  	_ =	shalt  }
0x3e: {  	_ =	shalt  }
0x3f: {  	_ =	shalt  }
0x40: {  	_ =	shalt  }
0x41: {  	_ =	shalt  }
0x42: {  	_ =	shalt  }
0x43: {  	_ =	shalt  }
0x44: {  	_ =	shalt  }
0x45: {  	_ =	shalt  }
0x46: {  	_ =	shalt  }
0x47: {  	_ =	shalt  }
0x48: {  	_ =	shalt  }
0x49: {  	_ =	shalt  }
0x4a: {  	_ =	shalt  }
0x4b: {  	_ =	shalt  }
0x4c: {  	_ =	shalt  }
0x4d: {  	_ =	shalt  }
0x4e: {  	_ =	shalt  }
0x4f: {  	_ =	shalt  }
0x50: {  	_ =	shalt  }
0x51: {  	_ =	shalt  }
0x52: {  	_ =	shalt  }
0x53: {  	_ =	shalt  }
0x54: {  	_ =	shalt  }
0x55: {  	_ =	shalt  }
0x56: {  	_ =	shalt  }
0x57: {  	_ =	shalt  }
0x58: {  	_ =	shalt  }
0x59: {  	_ =	shalt  }
0x5a: {  	_ =	shalt  }
0x5b: {  	_ =	shalt  }
0x5c: {  	_ =	shalt  }
0x5d: {  	_ =	shalt  }
0x5e: {  	_ =	shalt  }
0x5f: {  	_ =	shalt  }
0x60: {  	_ =	shalt  }
0x61: {  	_ =	shalt  }
0x62: {  	_ =	shalt  }
0x63: {  	_ =	shalt  }
0x64: {  	_ =	shalt  }
0x65: {  	_ =	shalt  }
0x66: {  	_ =	shalt  }
0x67: {  	_ =	shalt  }
0x68: {  	_ =	shalt  }
0x69: {  	_ =	shalt  }
0x6a: {  	_ =	shalt  }
0x6b: {  	_ =	shalt  }
0x6c: {  	_ =	shalt  }
0x6d: {  	_ =	shalt  }
0x6e: {  	_ =	shalt  }
0x6f: {  	_ =	shalt  }
0x70: {  	_ =	shalt  }
0x71: {  	_ =	shalt  }
0x72: {  	_ =	shalt  }
0x73: {  	_ =	shalt  }
0x74: {  	_ =	shalt  }
0x75: {  	_ =	shalt  }
0x76: {  	_ =	shalt  }
0x77: {  	_ =	shalt  }
0x78: {  	_ =	shalt  }
0x79: {  	_ =	shalt  }
0x7a: {  	_ =	shalt  }
0x7b: {  	_ =	shalt  }
0x7c: {  	_ =	shalt  }
0x7d: {  	_ =	shalt  }
0x7e: {  	_ =	shalt  }
0x7f: {  	_ =	shalt  }
0x80: {  	_ =	shalt  }
0x81: {  	_ =	shalt  }
0x82: {  	_ =	shalt  }
0x83: {  	_ =	shalt  }
0x84: {  	_ =	shalt  }
0x85: {  	_ =	shalt  }
0x86: {  	_ =	shalt  }
0x87: {  	_ =	shalt  }
.Lfunc_end0:
.L_simem_size_0:
called_computation.1_lowered:
.L_overlay_start_0:
0x88: {  	s2 =	sld [smem:$0x3FD9]  }
0x89: {  	s3 =	sld [smem:$0x3FFE];
	_ =	sdelay $0x1  }
0x8a: {  	s1 =	srdreg.scid  }
0x8b: {  	s0 =	sand.u32 $0x1, s1  }
0x8c: {  	s14 =	sshll.u32 s0, $0xA;
	s2 =	sadd.s32 s3, s2  }
0x8d: {  	s2 =	sadd.s32 s2, s14  }
0x8e: {  	[smem:$0x3FBB] =	sst s2  }
0x8f: {  	_ = 	snop  }
0x90: {  	s2 =	sld [smem:$0x3FD0];
	_ =	sdelay $0x2  }
0x91: {  	s15 =	simm.s32 $0xA;
	s4 =	simm.s32 $0x10  }
0x92: {  	[smem:s4], [sflag:s15] =	dma.local [hbm:s2], $0x1  }
0x93: {  	_ =	swait.eq [sflag:s15], $0x1  }
0x94: {  	[sflag:s15] =	ssyncset.done $0x0  }
0x95: {  	[sflag:s15] =	ssyncadd.s32 $0xFFFFFFFF  }
0x96: {  	s16 =	sld [smem:$0x11];
	(tm) =	ssettm $0x1  }
0x97: {  	s17 =	sld [smem:$0x3FFB];
	_ =	sdelay $0x3  }
0x98: {  	_ =	strace s17  }
0x99: {  	s3 =	sld [smem:$0x3FFC];
	_ =	sdelay $0x3  }
0x9a: {  	_ =	strace s3  }
0x9b: {  	s3 =	sld [smem:$0x3FFD];
	_ =	sdelay $0x3  }
0x9c: {  	_ =	strace s3  }
0x9d: {  	_ =	strace $0x8FFFFFFF  }
0x9e: {  	s18 =	sld [smem:$0x3FDB];
	_ =	sdelay $0x1  }
0x9f: {  	s19 =	simm.s32 $_scs_section_size  }
0xa0: {  	s5 =	simm.s32 $_size__tile_overlayer_lowered;
	s6 =	simm.s32 $_tile_overlayer_lowered  }
0xa1: {  	s22 =	simm.s32 $0x1BFF;
	s21 =	sshll.u32 s6, $0x1;
	s3 =	sadd.s32 s19, s18  }
0xa2: {  	s7 =	simm.s32 $0x0;
	s20 =	sshll.u32 s5, $0x1;
	s5 =	sadd.s32 s21, s3  }
0xa3: {  	[timem:s7], [sflag:s22] =	dma.local [hbm:s5], s20  }
0xa4: {  	_ =	swait.ge [sflag:s22], s20  }
0xa5: {  	s4 =	ssub.s32 $0x0, s20;
	[sflag:s22] =	ssyncset.done $0x0  }
0xa6: {  	[sflag:s22] =	ssyncadd.s32 s4;
	_ =	sdelay $0x1  }
0xa7: {  	s23 =	simm.s32 $0x1B8B  }
0xa8: {  	_ =	swait.ge [sflag:s23], $0x1  }
0xa9: {  	[sflag:s23] =	ssyncset.done $0x0  }
0xaa: {  	s25 =	simm.s32 $0x1B8E;
	s24 =	sld [smem:$0x3FFE];
	[sflag:s23] =	ssyncadd.s32 $0xFFFFFFFF  }
0xab: {  	s26 =	simm.s32 $execute0_lowered;
	[smem:$0x3FD2] =	sst s25  }
0xac: {  	s5 =	sshll.u32 s26, $0x1;
	_ =	strace $0x80000049;
	[dreg:$0x1] =	wrdreg $0xFFFFFFFF  }
0xad: {  	s28 =	simm.s32 $_size_execute0_lowered;
	s3 =	sadd.s32 s3, s5;
	[dreg:$0x0] =	wrdreg $0x0  }
0xae: {  	s5 =	sshll.u32 s28, $0x1;
	[dreg:$0x2] =	wrdreg s3  }
0xaf: {  	[dreg:$0x3] =	wrdreg s5  }
0xb0: {  	[dreg:$0x4] =	wrdreg $0xC0  }
0xb1: {  	_ =	task [dreg:s7], $0x5FFFF  }
0xb2: {  	[dreg:$0x1] =	wrdreg $0xFFFFFFFF  }
0xb3: {  	[dreg:$0x0] =	wrdreg $0x60  }
0xb4: {  	[dreg:$0x2] =	wrdreg s16  }
0xb5: {  	[dreg:$0x3] =	wrdreg s24  }
0xb6: {  	[dreg:$0x4] =	wrdreg $0x0  }
0xb7: {  	[dreg:$0x5] =	wrdreg $0x9  }
0xb8: {  	_ =	task.clear_ibuf [dreg:s7], $0x6FFFF;
	_ =	strace $0x90000049  }
0xb9: {  	s29 =	simm.s32 $0x9;
	_ =	strace $0x8000004B  }
0xba: {  	_ =	swait.ge [sflag:s29], $0x1  }
0xbb: {  	[sflag:s29] =	ssyncadd.s32 $0xFFFFFFFF  }
0xbc: {  	_ =	strace $0x9000004B  }
0xbd: {  	_ =	sfence  }
0xbe: {  	s30 =	sld [smem:$0x0];
	_ =	sdelay $0x2  }
0xbf: {  	s31 =	sshll.u32 s1, $0xD;
	s1 =	sshrl.u32 s1, $0x2  }
0xc0: {  	s3 =	sand.u32 $0x4000, s31;
	s1 =	sadd.s32 s1, s30  }
0xc1: {  	s0 =	sor.u32 s3, s0;
	s1 =	sshll.u32 s1, $0x11  }
0xc2: {  	s0 =	sor.u32 s1, s0  }
0xc3: {  	s0 =	sadd.s32 $0x8F2B, s0  }
0xc4: {  	[sflag:s0] =	ssyncadd.remote.s32 $0x1  }
0xc5: {  	_ =	sfence.sel $0xFFFF  }
0xc6: {  	[dreg:$0x0] =	wrdreg $0xFFFFFFFF;
	(pc) =	sbr.abs _section_cstart, $3  }
0xc7: {  	[dreg:$0x1] =	wrdreg $0xFFFFFFFF  }
0xc8: {  	_ =	task.clear_ibuf [dreg:s7], $0x2FFFF;
	_ =	strace $0x9FFFFFFF  }
0xc9: {  	(tm) =	ssettm $0x7FFFFFFF  }
tec
execute0_lowered:
.L_overlay_start_1:
0x0: {  	(tag) =	ssettag $0x1  }
0x1: {  	s1 =	rddreg [dreg:$0x0]  }
0x2: {  	s0 =	rddreg [dreg:$0x1]  }
0x3: {  	s2 =	rddreg [dreg:$0x2];
	s3 =	srdreg.scid  }
0x4: {  	s4 =	simm.s32 $0x0;
	s12 =	stileid.u32;
	s14 =	simm.s32 $0x4  }
0x5: {  	s15 =	simm.s32 $0x50000;
	s16 =	simm.s32 $0x14000;
	s17 =	simm.s32 $0x1  }
0x6: {  	s19 =	simm.s32 $0x80;
	s20 =	simm.s32 $0x16000;
	s21 =	simm.s32 $0x2  }
0x7: {  	s23 =	simm.s32 $0x14080;
	s24 =	simm.s32 $0x1A000;
	s5 =	smul.u32 $0x14000, s12  }
0x8: {  	s25 =	simm.s32 $0x3;
	s26 =	simm.s32 $0x800;
	s6 =	smul.u32 $0x50000, s12  }
0x9: {  	s3 =	sand.u32 $0x1, s3;
	[smem:$0x7FF] =	sst s4;
	s28 =	smul.u32 $0x5000, s12  }
0xa: {  	s10 =	sadd.s32 $0x3000, s0;
	s29 =	sshll.u32 s12, $0x6;
	s9 =	smul.u32 $0x140000, s3  }
0xb: {  	_ =	strace $0x8000004A;
	s7 =	smul.u32 $0xA0000, s3;
	s3 =	ssub.s32 $0x2, s3  }
0xc: {  	s11 =	sshrl.u32 s3, $0x1;
	s6 =	sshrl.u32 s6, $0x2;
	s5 =	sadd.s32 s5, s9  }
0xd: {  	s3 =	ssub.s32 s3, s11;
	s13 =	sadd.s32 s6, s2;
	s31 =	sshrl.u32 s9, $0x3  }
0xe: {  	s8 =	sshrl.u32 s5, $0x3;
	s5 =	sadd.s32 s28, s7;
	s7 =	sor.u32 $0x1C04, s29  }
0xf: {  	s12 =	smax.u32 s3, $0x1;
	s13 =	sshrl.u32 s13, $0x3;
	s30 =	sshrl.u32 s5, $0x3  }
0x10: {  	s0 =	sadd.s32 s8, s0;
	s6 =	sadd.s32 s10, s8;
	s8 =	sadd.s32 s1, s30  }
0x11: {  	s10 =	sadd.s32 s10, s31;
	s11 =	sadd.s32 $0x53000, s0;
	s9 =	sadd.s32 $0x100, s8  }
.LBB2_1:
0x12: {  	[spmem:s13], [sflag:s7] =	dma.local [hbm:s6], $0x2800  }
0x13: {  	_ =	swait.ge [sflag:s14], $0x2800  }
0x14: {  	[sflag:s14] =	ssyncset.done $0x0  }
0x15: {  	[sflag:s14] =	ssyncadd.s32 $0xFFFFD800  }
0x16: {  	[bflag:$0x0] =	sbarrier.arrive $0xFFFF  }
0x17: {  	[tilespmem:s16], [sflag:$0x1] =	stream.strided.gather [hbm4b:s8+s26], $0x1000, s15, s26, $0x38;
	[tilespmem:$0x1E000] =	vst v63  }
0x18: {  	_ =	swait.ge [sflag:s17], $0x1000  }
0x19: {  	[sflag:s17] =	ssyncset.done $0x0  }
0x1a: {  	s0 =	simm.s32 $0x15000;
	[sflag:s17] =	ssyncadd.s32 $0xFFFFF000  }
0x1b: {  	[tilespmem:s0], [sflag:$0x1] =	stream.strided.gather [hbm4b:s9+s26], $0x1000, s15, s26, $0x38;
	[tilespmem:$0x1E000] =	vst v63  }
0x1c: {  	_ = 	snop  }
0x1d: {  	[tilespmem:s20], [sflag:$0x2] =	stream.indirect.gather [hbm4b:s10+s19], $0x80, s16, s19, $0xb8;
	[tilespmem:$0x1E000] =	vst v63  }
0x1e: {  	_ =	swait.ge [sflag:s21], $0x4000  }
.Ltmp0:
0x1f: {  	[sflag:s21] =	ssyncset.done $0x0;
	(pc) =	sbr.rel .LBB2_2-.Ltmp0, $4  }
0x20: {  	s31 =	simm.s32 $0x14800;
	[sflag:s21] =	ssyncadd.s32 $0xFFFFC000  }
0x21: {  	[spmem:s2] =	stream.indirect.scatter.add.f32 [tilespmem:s20], [sflag:$0x3], $0x80, s31, s19, $0xb8;
	[tilespmem:$0x1E000] =	vst v63  }
0x22: {  	s28 =	simm.s32 $0x400;
	s29 =	simm.s32 $0xFFFFFFF1;
	s30 =	simm.s32 $0x800  }
0x23: {  	[tilespmem:s24], [sflag:$0x2] =	stream.indirect.gather [hbm4b:s10+s19], $0x80, s23, s19, $0xb8;
	[tilespmem:$0x1E000] =	vst v63  }
.LBB2_3:
0x24: {  	s0 =	sshrl.u32 s3, $0x4  }
0x25: {  	s0 =	sadd.s32 $0x1, s0  }
0x26: {  	s22 =	sshll.u32 s0, $0xB  }
0x27: {  	s0 =	sshll.u32 s0, $0xC;
	s3 =	sadd.s32 s5, s22  }
0x28: {  	s0 =	sand.u32 $0x1000, s0;
	s3 =	sshrl.u32 s3, $0x3  }
0x29: {  	s0 =	sor.u32 $0x14000, s0;
	s3 =	sadd.s32 s1, s3  }
0x2a: {  	[tilespmem:s0], [sflag:$0x1] =	stream.strided.gather [hbm4b:s3+s26], $0x1000, s15, s26, $0x38;
	[tilespmem:$0x1E000] =	vst v63  }
.LBB2_7:
0x2b: {  	s0 =	sand.u32 $0x4000, s30;
	s3 =	sand.u32 $0x1E00, s28  }
0x2c: {  	s0 =	sor.u32 s3, s0  }
0x2d: {  	s31 =	ssub.s32 $0x1A000, s31;
	s30 =	sadd.s32 $0x400, s30;
	s0 =	sshrl.u32 s0, $0x2  }
0x2e: {  	s28 =	sadd.s32 $0x200, s28;
	s29 =	sadd.s32 $0x1, s29;
	s0 =	sor.u32 $0x14000, s0  }
0x2f: {  	[tilespmem:s31], [sflag:$0x2] =	stream.indirect.gather [hbm4b:s10+s19], $0x80, s0, s19, $0xb8;
	[tilespmem:$0x1E000] =	vst v63  }
.LBB2_2:
0x30: {  	s3 =	sadd.s32 $0x10, s29;
	_ =	swait.ge [sflag:s21], $0x4000  }
0x31: {  	s0 =	sand.u32 $0xF, s3;
	s31 =	sand.u32 $0x1, s3;
	s18 =	sshll.u32 s3, $0x8  }
0x32: {  	[sflag:s21] =	ssyncset.done $0x0;
	s18 =	sand.u32 $0x1000, s18;
	p0 =	sne.s32 s0, $0x0  }
0x33: {  	s22 =	sshll.u32 s0, $0x7;
	s31 =	sshll.u32 s31, $0xE;
	p1 =	sgt.u32 @!p0 s29, $0x7F  }
0x34: {  	[sflag:s21] =	ssyncadd.s32 $0xFFFFC000;
	s18 =	sor.u32 s22, s18;
	p0 =	por p0, p1  }
.Ltmp1:
0x35: {  	s22 =	sadd.s32 $0x16000, s31;
	s18 =	sor.u32 $0x14800, s18;
	(pc) =	sbr.rel @!p0 .LBB2_3-.Ltmp1, $4  }
0x36: {  	[spmem:s2] =	stream.indirect.scatter.add.f32 [tilespmem:s22], [sflag:$0x3], $0x80, s18, s19, $0xb8;
	[tilespmem:$0x1E000] =	vst v63  }
0x37: {  	_ =	swait.ge [sflag:s25], $0x4000  }
0x38: {  	[sflag:s25] =	ssyncset.done $0x0  }
0x39: {  	[sflag:s25] =	ssyncadd.s32 $0xFFFFC000  }
0x3a: {  	p0 =	seq.s32 s29, $0x8F  }
0x3b: {  	p1 =	sne.s32 @!p0 s0, $0xF  }
0x3c: {  	p1 =	por p0, p1  }
.Ltmp2:
0x3d: {  	_ = 	snop;
	(pc) =	sbr.rel @p1 .LBB2_6-.Ltmp2, $1  }
0x3e: {  	_ =	sdelay $0x3  }
.Ltmp3:
0x3f: {  	(pc) =	sbr.rel .LBB2_7-.Ltmp3, $4  }
0x40: {  	_ = 	snop  }
0x41: {  	_ =	swait.ge [sflag:s17], $0x1000  }
0x42: {  	[sflag:s17] =	ssyncset.done $0x0  }
0x43: {  	[sflag:s17] =	ssyncadd.s32 $0xFFFFF000  }
.LBB2_6:
.Ltmp4:
0x44: {  	(pc) =	sbr.rel @!p0 .LBB2_7-.Ltmp4, $1  }
0x45: {  	_ =	sdelay $0x3  }
0x46: {  	_ =	swait.ge [sflag:s25], $0x4000  }
0x47: {  	s4 =	sadd.s32 $0x1, s4;
	[sflag:s25] =	ssyncset.done $0x0  }
0x48: {  	p0 =	sne.s32 s4, s12;
	[sflag:s25] =	ssyncadd.s32 $0xFFFFC000  }
.Ltmp5:
0x49: {  	[bflag:$0x0] =	sbarrier.arrive $0xFFFF;
	(pc) =	sbr.rel @p0 .LBB2_1-.Ltmp5, $4  }
0x4a: {  	[hbm:s11], [sflag:s7] =	dma.local [spmem:s13], $0x2800  }
0x4b: {  	_ =	swait.ge [sflag:s14], $0x2800  }
0x4c: {  	[sflag:s14] =	ssyncset.done $0x0  }
0x4d: {  	[sflag:s14] =	ssyncadd.s32 $0xFFFFD800  }
0x4e: {  	_ =	sfence.sel $0x180000  }
0x4f: {  	[bflag:$0x0] =	sbarrier.arrive $0xFFFF  }
0x50: {  	_ =	strace $0x9000004A  }
0x51: {  	s0 =	stileid.u32;
	[bflag:$0x2] =	sbarrier.arrive $0xFFFF  }
0x52: {  	p0 =	sne.s32 s0, $0x0;
	s0 =	rddreg [dreg:$0x3]  }
0x53: {  	s0 =	sadd.s32 @!p0 $0x100000, s0  }
0x54: {  	[sflag:s0] =	ssyncadd.tile.s32 @!p0 $0x1;
	_ =	shalt  }
.Lfunc_end2:
_tile_overlayer_lowered:
.L_overlay_start_2:
0x55: {  	(tag) =	ssettag $0x2  }
0x56: {  	s0 =	rddreg [dreg:$0x0];
	s2 =	stileid.u32  }
0x57: {  	s1 =	rddreg [dreg:$0x1];
	p0 =	sne.s32 s2, $0x0  }
0x58: {  	s3 =	rddreg [dreg:$0x2];
	[bflag:$0x3] =	sbarrier.arrive $0xFFFF;
	s2 =	simm.s32 @!p0 $0x1C04  }
0x59: {  	[timem:s3], [sflag:s2] =	dma.local @!p0 [hbm:s0], s1  }
0x5a: {  	s0 =	simm.s32 @!p0 $0x4  }
0x5b: {  	_ =	swait.ge @!p0 [sflag:s0], s1  }
0x5c: {  	s1 =	ssub.s32 @!p0 $0x0, s1;
	[sflag:s0] =	ssyncset.done @!p0 $0x0  }
0x5d: {  	[sflag:s0] =	ssyncadd.s32 @!p0 s1  }
0x5e: {  	[bflag:$0x3] =	sbarrier.arrive $0xFFFF  }
0x5f: {  	_ =	shalt  }

</sc_bundles>
